<compile_context>
chip_gen: v7x
topology: tpu7x:2x2x1
jax: 0.10.2.dev20260603
libtpu: 0.0.44.dev20260713+nightly
codegen_flags: <defaults>
</compile_context>

<pallas_src>
import functools

import jax
import jax.numpy as jnp
from jax import lax
from jax.experimental import pallas as pl
from jax.experimental.pallas import tpu as pltpu
from jax.experimental.pallas import tpu_sc as plsc

N = 10000
E = 320000
H = 128
G = 128
NT = 1

NB = 5
BN = N // NB

NC = 2
NS = 16
EPW = E // (NC * NS)
CH = 125
EPWP = 10000
NCHUNK = EPWP // CH
PKC = 128
NA = N + (EPWP - EPW)
ZCH = 40
NSLICE = N // ZCH


def _sc_aggregate(y, src2d, dst3d):
  mesh = plsc.VectorSubcoreMesh(core_axis_name="c", subcore_axis_name="s")

  @functools.partial(
      pl.kernel,
      mesh=mesh,
      out_type=jax.ShapeDtypeStruct((NC, N, H), jnp.float32),
      scratch_types=[
          pltpu.VMEM((NCHUNK, CH), jnp.int32),
          pltpu.VMEM((NCHUNK, CH), jnp.int32),
          pltpu.VMEM((CH, H), jnp.float32),
          pltpu.VMEM_SHARED((NA, H), jnp.float32),
          pltpu.SemaphoreType.DMA,
          pltpu.SemaphoreType.DMA,
      ],
  )
  def agg_kernel(y_hbm, src_hbm, dst_hbm, out_hbm, sidx, didx, rows0,
                 acc, g0, g1):
    c = lax.axis_index("c")
    s = lax.axis_index("s")
    wid = c * NS + s

    cp_s = pltpu.async_copy(src_hbm.at[wid], sidx, g0)
    cp_d = pltpu.async_copy(dst_hbm.at[wid], didx, g1)

    zv = jnp.zeros((16,), jnp.float32)

    @pl.loop(0, CH)
    def _(r):
      @pl.loop(0, H, step=16)
      def _(j):
        rows0[r, pl.ds(j, 16)] = zv

    @pl.loop(0, (NSLICE + NS - 1) // NS)
    def _(k):
      j = s + k * NS
      @pl.when(j < NSLICE)
      def _():
        pltpu.sync_copy(rows0.at[pl.ds(0, ZCH)], acc.at[pl.ds(j * ZCH, ZCH)])

    cp_s.wait()
    cp_d.wait()
    plsc.subcore_barrier()

    @pl.loop(0, NCHUNK)
    def _(k):
      pltpu.async_copy(y_hbm.at[sidx.at[k]], rows0, g0).wait()
      pltpu.sync_copy(rows0, acc.at[didx.at[k]], add=True)

    plsc.subcore_barrier()

    pltpu.sync_copy(acc.at[pl.ds(s * 624, 624)],
                    out_hbm.at[c, pl.ds(s * 624, 624)])

    @pl.when(s == 0)
    def _():
      pltpu.sync_copy(acc.at[pl.ds(NS * 624, N - NS * 624)],
                      out_hbm.at[c, pl.ds(NS * 624, N - NS * 624)])

  return agg_kernel(y, src2d, dst3d)


def _tc_layer(parts, x, W, b, Wr, br):
  def body(p_ref, x_ref, w_ref, b_ref, wr_ref, br_ref, h_ref):
    agg = p_ref[0] + p_ref[1]
    hw = jnp.dot(agg, w_ref[...], preferred_element_type=jnp.float32)
    r = jnp.dot(x_ref[...], wr_ref[...], preferred_element_type=jnp.float32)
    h_ref[...] = (jnp.maximum(hw + b_ref[...], 0.0)
                  + jnp.maximum(r + br_ref[...], 0.0))

  return pl.pallas_call(
      body,
      grid=(NB,),
      in_specs=[
          pl.BlockSpec((NC, BN, H), lambda i: (0, i, 0)),
          pl.BlockSpec((BN, H), lambda i: (i, 0)),
          pl.BlockSpec((H, H), lambda i: (0, 0)),
          pl.BlockSpec((1, H), lambda i: (0, 0)),
          pl.BlockSpec((H, H), lambda i: (0, 0)),
          pl.BlockSpec((1, H), lambda i: (0, 0)),
      ],
      out_specs=pl.BlockSpec((BN, H), lambda i: (i, 0)),
      out_shape=jax.ShapeDtypeStruct((N, H), jnp.float32),
  )(parts, x, W, b.reshape(1, H), Wr, br.reshape(1, H))


def _tc_final(parts, h1, W2, b2, Wr2, br2, Wg, bg, ids, Wp1, bp1, gamma,
              beta, Wp2, bp2):
  def body(p_ref, h1_ref, w2_ref, b2_ref, wr2_ref, br2_ref, wg_ref, bg_ref,
           ids_ref, wp1_ref, bp1_ref, ga_ref, be_ref, wp2_ref, bp2_ref,
           out_ref, wsum, hmax):
    i = pl.program_id(0)

    @pl.when(i == 0)
    def _():
      wsum[...] = jnp.zeros((G, H), jnp.float32)
      hmax[...] = jnp.full((G, H), -jnp.inf, jnp.float32)

    agg = p_ref[0] + p_ref[1]
    hw = jnp.dot(agg, w2_ref[...], preferred_element_type=jnp.float32)
    r = jnp.dot(h1_ref[...], wr2_ref[...], preferred_element_type=jnp.float32)
    h = (jnp.maximum(hw + b2_ref[...], 0.0)
         + jnp.maximum(r + br2_ref[...], 0.0))
    gate = jax.nn.sigmoid(
        jnp.dot(h, wg_ref[...], preferred_element_type=jnp.float32)
        + bg_ref[0, 0])
    gh = gate * h
    ids = ids_ref[...]
    onehot = (ids == lax.broadcasted_iota(jnp.int32, (1, G), 1)
              ).astype(jnp.float32)
    wsum[...] += lax.dot_general(
        onehot, gh, (((0,), (0,)), ((), ())),
        precision=lax.Precision.HIGHEST,
        preferred_element_type=jnp.float32)

    lo = ids[0, 0]
    hi = ids[BN - 1, 0]

    def gbody(g, carry):
      m = jnp.where(ids == g, h, -jnp.inf)
      row = jnp.max(m, axis=0, keepdims=True)
      hmax[pl.ds(g, 1), :] = jnp.maximum(hmax[pl.ds(g, 1), :], row)
      return carry

    lax.fori_loop(lo, hi + 1, gbody, 0)

    @pl.when(i == NB - 1)
    def _():
      gf = jnp.concatenate([wsum[...], hmax[...]], axis=1)
      z = jnp.dot(gf, wp1_ref[...], preferred_element_type=jnp.float32)
      z = jnp.maximum(z + bp1_ref[...], 0.0)
      mu = jnp.mean(z, axis=0, keepdims=True)
      var = jnp.mean((z - mu) * (z - mu), axis=0, keepdims=True)
      zn = (z - mu) / jnp.sqrt(var + 1e-5) * ga_ref[...] + be_ref[...]
      out_ref[...] = (
          jnp.dot(zn, wp2_ref[...], preferred_element_type=jnp.float32)
          + bp2_ref[...])

  return pl.pallas_call(
      body,
      grid=(NB,),
      in_specs=[
          pl.BlockSpec((NC, BN, H), lambda i: (0, i, 0)),
          pl.BlockSpec((BN, H), lambda i: (i, 0)),
          pl.BlockSpec((H, H), lambda i: (0, 0)),
          pl.BlockSpec((1, H), lambda i: (0, 0)),
          pl.BlockSpec((H, H), lambda i: (0, 0)),
          pl.BlockSpec((1, H), lambda i: (0, 0)),
          pl.BlockSpec((H, NT), lambda i: (0, 0)),
          pl.BlockSpec((1, 1), lambda i: (0, 0)),
          pl.BlockSpec((BN, 1), lambda i: (i, 0)),
          pl.BlockSpec((2 * H, H), lambda i: (0, 0)),
          pl.BlockSpec((1, H), lambda i: (0, 0)),
          pl.BlockSpec((1, H), lambda i: (0, 0)),
          pl.BlockSpec((1, H), lambda i: (0, 0)),
          pl.BlockSpec((H, NT), lambda i: (0, 0)),
          pl.BlockSpec((1, NT), lambda i: (0, 0)),
      ],
      out_specs=pl.BlockSpec((G, NT), lambda i: (0, 0)),
      out_shape=jax.ShapeDtypeStruct((G, NT), jnp.float32),
      scratch_shapes=[
          pltpu.VMEM((G, H), jnp.float32),
          pltpu.VMEM((G, H), jnp.float32),
      ],
  )(parts, h1, W2, b2.reshape(1, H), Wr2, br2.reshape(1, H),
    Wg, bg.reshape(1, 1), ids.reshape(N, 1),
    Wp1, bp1.reshape(1, H), gamma.reshape(1, H), beta.reshape(1, H),
    Wp2, bp2.reshape(1, NT))


@jax.jit
def kernel(x, edge_index, graph_ids, W1, b1, Wr1, br1, W2, b2, Wr2, br2,
           Wg, bg, Wp1, bp1, gamma, beta, Wp2, bp2):
  pad = EPWP - EPW
  src2d = jnp.pad(edge_index[0].reshape(NC * NS, EPW), ((0, 0), (0, pad)),
                  constant_values=0).reshape(NC * NS, NCHUNK, CH)
  dpad = jnp.broadcast_to(N + jnp.arange(pad, dtype=jnp.int32),
                          (NC * NS, pad))
  dst3d = jnp.concatenate(
      [edge_index[1].reshape(NC * NS, EPW), dpad],
      axis=1).reshape(NC * NS, NCHUNK, CH)

  parts1 = _sc_aggregate(x, src2d, dst3d)
  h1 = _tc_layer(parts1, x, W1, b1, Wr1, br1)
  parts2 = _sc_aggregate(h1, src2d, dst3d)
  return _tc_final(parts2, h1, W2, b2, Wr2, br2, Wg, bg, graph_ids,
                   Wp1, bp1, gamma, beta, Wp2, bp2)

# --- scband reference (transcript-rebuilt; emitter-appended) ---
"""Pipeline reference for scband-gcn-56676388438268 (READ-ONLY COPY).

The authoritative reference and input builder live on the scoring server;
editing this copy changes nothing except your own understanding.
"""

import jax, jax.numpy as jnp
import numpy as np

N = 10000   # nodes
E = 320000  # edges
D = 128     # in_node_dim
H = 128     # hidden_node_dim
G = 128     # number of graphs in the batch
PH = 128    # predictor_hidden_feats
NT = 1      # n_tasks (regression)


def setup_inputs(seed: int = 0) -> dict:
    key = jax.random.key(seed)
    ks = jax.random.split(key, 16)
    s = 0.05
    inp = {}
    inp['x'] = jax.random.normal(ks[0], (N, D), dtype=jnp.float32)
    inp['edge_index'] = jax.random.randint(ks[1], (2, E), 0, N, dtype=jnp.int32)
    inp['graph_ids'] = jnp.sort(jax.random.randint(ks[2], (N,), 0, G, dtype=jnp.int32))
    # GCN layer 1 (GraphConv weight/bias + residual linear)
    inp['W1'] = jax.random.normal(ks[3], (D, H), dtype=jnp.float32) * s
    inp['b1'] = jnp.zeros((H,), dtype=jnp.float32)
    inp['Wr1'] = jax.random.normal(ks[4], (D, H), dtype=jnp.float32) * s
    inp['br1'] = jnp.zeros((H,), dtype=jnp.float32)
    # GCN layer 2
    inp['W2'] = jax.random.normal(ks[5], (H, H), dtype=jnp.float32) * s
    inp['b2'] = jnp.zeros((H,), dtype=jnp.float32)
    inp['Wr2'] = jax.random.normal(ks[6], (H, H), dtype=jnp.float32) * s
    inp['br2'] = jnp.zeros((H,), dtype=jnp.float32)
    # WeightedSumAndMax gating linear
    inp['Wg'] = jax.random.normal(ks[7], (H, 1), dtype=jnp.float32) * s
    inp['bg'] = jnp.zeros((1,), dtype=jnp.float32)
    # MLP predictor: Linear -> ReLU -> BatchNorm1d -> Linear
    inp['Wp1'] = jax.random.normal(ks[8], (2 * H, PH), dtype=jnp.float32) * s
    inp['bp1'] = jnp.zeros((PH,), dtype=jnp.float32)
    inp['gamma'] = jnp.ones((PH,), dtype=jnp.float32)
    inp['beta'] = jnp.zeros((PH,), dtype=jnp.float32)
    inp['Wp2'] = jax.random.normal(ks[9], (PH, NT), dtype=jnp.float32) * s
    inp['bp2'] = jnp.zeros((NT,), dtype=jnp.float32)
    return inp


def _gcn_layer(x, src, dst, W, b, Wr, br):
    # dgllife GCNLayer with gnn_norm='none': message = sum of incoming src feats,
    # then linear + bias + relu (GraphConv activation), plus residual relu(Linear(x)).
    agg = jax.ops.segment_sum(jnp.take(x, src, axis=0), dst, num_segments=N)
    h = jax.nn.relu(agg @ W + b)
    return h + jax.nn.relu(x @ Wr + br)


def reference(x, edge_index, graph_ids, W1, b1, Wr1, br1, W2, b2, Wr2, br2,
              Wg, bg, Wp1, bp1, gamma, beta, Wp2, bp2):
    src = edge_index[0]
    dst = edge_index[1]
    h = _gcn_layer(x, src, dst, W1, b1, Wr1, br1)
    h = _gcn_layer(h, src, dst, W2, b2, Wr2, br2)
    # WeightedSumAndMax readout per graph
    gate = jax.nn.sigmoid(h @ Wg + bg)                                # [N, 1]
    wsum = jax.ops.segment_sum(gate * h, graph_ids, num_segments=G)   # [G, H]
    hmax = jax.ops.segment_max(h, graph_ids, num_segments=G)          # [G, H]
    gf = jnp.concatenate([wsum, hmax], axis=1)                        # [G, 2H]
    # MLPPredictor: Linear -> ReLU -> BatchNorm1d (training stats) -> Linear
    z = jax.nn.relu(gf @ Wp1 + bp1)
    mu = jnp.mean(z, axis=0)
    var = jnp.var(z, axis=0)
    zn = (z - mu) / jnp.sqrt(var + 1e-5) * gamma + beta
    out = zn @ Wp2 + bp2                                              # [G, NT]
    return out

if __name__ == "__main__":
    import jax
    _d = setup_inputs()
    print(jax.jit(kernel)(*tuple(_d.values())))

</pallas_src>

<mosaic_0001>
#map = affine_map<(d0, d1) -> (0, 0)>
#map1 = affine_map<(d0, d1) -> (0, 0, 0)>
module attributes {stable_mosaic.version = 14 : i64} {
  func.func @agg_kernel(%arg0: i32, %arg1: i32, %arg2: memref<10000x128xf32, #tpu.memory_space<hbm>>, %arg3: memref<32x80x125xi32, #tpu.memory_space<hbm>>, %arg4: memref<32x80x125xi32, #tpu.memory_space<hbm>>, %arg5: memref<2x10000x128xf32, #tpu.memory_space<hbm>>, %arg6: memref<80x125xi32, #tpu.memory_space<vmem>>, %arg7: memref<80x125xi32, #tpu.memory_space<vmem>>, %arg8: memref<125x128xf32, #tpu.memory_space<vmem>>, %arg9: memref<10000x128xf32, #tpu.memory_space<vmem_shared>>, %arg10: memref<!tpu.dma_semaphore, #tpu.memory_space<semaphore_mem>>, %arg11: memref<!tpu.dma_semaphore, #tpu.memory_space<semaphore_mem>>) attributes {dimension_semantics = [#tpu.dimension_semantics<core_parallel>, #tpu.dimension_semantics<subcore_parallel>], iteration_bounds = array<i64: 2, 16>, scalar_prefetch = 0 : i64, scratch_operands = 6 : i64, tpu.core_type = #tpu.core_type<sc_vector_subcore>, window_params = [{transform_indices = #map}, {transform_indices = #map1}, {transform_indices = #map1}, {transform_indices = #map1}]} {
    %mul3A = arith.constant 16 : i32
    %mul3A_0 = arith.muli %arg0, %mul3A : i32
    %add3A = arith.addi %mul3A_0, %arg1 : i32
    %dma_start3A = arith.constant 0 : i32
    %dma_start3A_1 = arith.constant 0 : i32
    %dma_start3A_2 = tpu.memref_slice %arg3[%add3A, %dma_start3A, %dma_start3A_1] : memref<32x80x125xi32, #tpu.memory_space<hbm>> -> memref<1x80x125xi32, #tpu.memory_space<hbm>>
    %dma_start3A_3 = tpu.memref_squeeze %dma_start3A_2 : memref<1x80x125xi32, #tpu.memory_space<hbm>> -> memref<80x125xi32, #tpu.memory_space<hbm>>
    %dma_start3A_4 = arith.constant 0 : i32
    %dma_start3A_5 = arith.constant 0 : i32
    %dma_start3A_6 = tpu.memref_slice %arg3[%add3A, %dma_start3A_4, %dma_start3A_5] : memref<32x80x125xi32, #tpu.memory_space<hbm>> -> memref<1x80x125xi32, #tpu.memory_space<hbm>>
    %dma_start3A_7 = tpu.memref_squeeze %dma_start3A_6 : memref<1x80x125xi32, #tpu.memory_space<hbm>> -> memref<80x125xi32, #tpu.memory_space<hbm>>
    tpu.enqueue_dma source(%dma_start3A_7 : memref<80x125xi32, #tpu.memory_space<hbm>>) target(%arg6 : memref<80x125xi32, #tpu.memory_space<vmem>>) target_semaphore(%arg10 : memref<!tpu.dma_semaphore, #tpu.memory_space<semaphore_mem>>)
    %dma_start3A_8 = arith.constant 0 : i32
    %dma_start3A_9 = arith.constant 0 : i32
    %dma_start3A_10 = tpu.memref_slice %arg4[%add3A, %dma_start3A_8, %dma_start3A_9] : memref<32x80x125xi32, #tpu.memory_space<hbm>> -> memref<1x80x125xi32, #tpu.memory_space<hbm>>
    %dma_start3A_11 = tpu.memref_squeeze %dma_start3A_10 : memref<1x80x125xi32, #tpu.memory_space<hbm>> -> memref<80x125xi32, #tpu.memory_space<hbm>>
    %dma_start3A_12 = arith.constant 0 : i32
    %dma_start3A_13 = arith.constant 0 : i32
    %dma_start3A_14 = tpu.memref_slice %arg4[%add3A, %dma_start3A_12, %dma_start3A_13] : memref<32x80x125xi32, #tpu.memory_space<hbm>> -> memref<1x80x125xi32, #tpu.memory_space<hbm>>
    %dma_start3A_15 = tpu.memref_squeeze %dma_start3A_14 : memref<1x80x125xi32, #tpu.memory_space<hbm>> -> memref<80x125xi32, #tpu.memory_space<hbm>>
    tpu.enqueue_dma source(%dma_start3A_15 : memref<80x125xi32, #tpu.memory_space<hbm>>) target(%arg7 : memref<80x125xi32, #tpu.memory_space<vmem>>) target_semaphore(%arg11 : memref<!tpu.dma_semaphore, #tpu.memory_space<semaphore_mem>>)
    %broadcast_in_dim3A = arith.constant 0.000000e+00 : f32
    %broadcast_in_dim3A_16 = vector.broadcast %broadcast_in_dim3A : f32 to vector<16xf32>
    %scan3A = arith.constant 0 : i32
    %scan3A_17 = arith.constant 125 : i32
    %scan3A_18 = arith.addi %scan3A, %scan3A_17 : i32
    %scan3A_19 = arith.constant 1 : i32
    scf.for %scan3A_53 = %scan3A to %scan3A_18 step %scan3A_19  : i32 {
      %mul3A_54 = arith.constant 1 : i32
      %mul3A_55 = arith.muli %scan3A_53, %mul3A_54 : i32
      %add3A_56 = arith.constant 0 : i32
      %add3A_57 = arith.addi %add3A_56, %mul3A_55 : i32
      %scan3A_58 = arith.constant 0 : i32
      %scan3A_59 = arith.constant 8 : i32
      %scan3A_60 = arith.addi %scan3A_58, %scan3A_59 : i32
      %scan3A_61 = arith.constant 1 : i32
      scf.for %scan3A_63 = %scan3A_58 to %scan3A_60 step %scan3A_61  : i32 {
        %mul3A_64 = arith.constant 16 : i32
        %mul3A_65 = arith.muli %scan3A_63, %mul3A_64 : i32
        %add3A_66 = arith.constant 0 : i32
        %add3A_67 = arith.addi %add3A_66, %mul3A_65 : i32
        %swap3A = arith.index_cast %add3A_57 : i32 to index
        %swap3A_68 = arith.index_cast %add3A_67 : i32 to index
        %swap3A_69 = tpu.vector_load %arg8[%swap3A, %swap3A_68] {strides = array<i32>} : memref<125x128xf32, #tpu.memory_space<vmem>>, vector<1x16xf32>,
        %swap3A_70 = vector.shape_cast %swap3A_69 : vector<1x16xf32> to vector<16xf32>
        %swap3A_71 = vector.shape_cast %broadcast_in_dim3A_16 : vector<16xf32> to vector<1x16xf32>
        tpu.vector_store %arg8[%swap3A, %swap3A_68], %swap3A_71 {strides = array<i32>} : memref<125x128xf32, #tpu.memory_space<vmem>>, vector<1x16xf32>,
      }
      %scan3A_62 = arith.constant 8 : i32
    }
    %scan3A_20 = arith.constant 125 : i32
    %scan3A_21 = arith.constant 0 : i32
    %scan3A_22 = arith.constant 16 : i32
    %scan3A_23 = arith.addi %scan3A_21, %scan3A_22 : i32
    %scan3A_24 = arith.constant 1 : i32
    scf.for %scan3A_53 = %scan3A_21 to %scan3A_23 step %scan3A_24  : i32 {
      %mul3A_54 = arith.constant 1 : i32
      %mul3A_55 = arith.muli %scan3A_53, %mul3A_54 : i32
      %add3A_56 = arith.constant 0 : i32
      %add3A_57 = arith.addi %add3A_56, %mul3A_55 : i32
      %mul3A_58 = arith.constant 16 : i32
      %mul3A_59 = arith.muli %add3A_57, %mul3A_58 : i32
      %add3A_60 = arith.addi %arg1, %mul3A_59 : i32
      %lt3A = arith.constant 250 : i32
      %lt3A_61 = arith.cmpi slt, %add3A_60, %lt3A : i32
      %convert_element_type3A_62 = arith.extui %lt3A_61 : i1 to i32
      %cond3A_63 = arith.constant 0 : i32
      %cond3A_64 = arith.cmpi ne, %convert_element_type3A_62, %cond3A_63 : i32
      scf.if %cond3A_64 {
        %mul3A_65 = arith.constant 40 : i32
        %mul3A_66 = arith.muli %add3A_60, %mul3A_65 : i32
        "tpu.region"() ({
          %run_scoped3A = tpu.sem_alloc : memref<!tpu.dma_semaphore, #tpu.memory_space<semaphore_mem>>
          %dma_start3A_67 = arith.constant 0 : i32
          %dma_start3A_68 = arith.constant 0 : i32
          %dma_start3A_69 = tpu.memref_slice %arg8[%dma_start3A_67, %dma_start3A_68] : memref<125x128xf32, #tpu.memory_space<vmem>> -> memref<40x128xf32, #tpu.memory_space<vmem>>
          %dma_start3A_70 = arith.constant 0 : i32
          %dma_start3A_71 = tpu.memref_slice %arg9[%mul3A_66, %dma_start3A_70] : memref<10000x128xf32, #tpu.memory_space<vmem_shared>> -> memref<40x128xf32, #tpu.memory_space<vmem_shared>>
          %dma_start3A_72 = arith.constant 0 : i32
          %dma_start3A_73 = tpu.memref_slice %arg9[%mul3A_66, %dma_start3A_72] : memref<10000x128xf32, #tpu.memory_space<vmem_shared>> -> memref<40x128xf32, #tpu.memory_space<vmem_shared>>
          %dma_start3A_74 = arith.constant 0 : i32
          %dma_start3A_75 = arith.constant 0 : i32
          %dma_start3A_76 = tpu.memref_slice %arg8[%dma_start3A_74, %dma_start3A_75] : memref<125x128xf32, #tpu.memory_space<vmem>> -> memref<40x128xf32, #tpu.memory_space<vmem>>
          tpu.enqueue_dma source(%dma_start3A_76 : memref<40x128xf32, #tpu.memory_space<vmem>>) target(%dma_start3A_73 : memref<40x128xf32, #tpu.memory_space<vmem_shared>>) target_semaphore(%run_scoped3A : memref<!tpu.dma_semaphore, #tpu.memory_space<semaphore_mem>>)
          %dma_wait3A_77 = arith.constant 0 : i32
          %dma_wait3A_78 = arith.constant 0 : i32
          %dma_wait3A_79 = tpu.memref_slice %arg8[%dma_wait3A_77, %dma_wait3A_78] : memref<125x128xf32, #tpu.memory_space<vmem>> -> memref<40x128xf32, #tpu.memory_space<vmem>>
          %dma_wait3A_80 = arith.constant 0 : i32
          %dma_wait3A_81 = tpu.memref_slice %arg9[%mul3A_66, %dma_wait3A_80] : memref<10000x128xf32, #tpu.memory_space<vmem_shared>> -> memref<40x128xf32, #tpu.memory_space<vmem_shared>>
          %dma_wait3A_82 = arith.constant 0 : i32
          %dma_wait3A_83 = tpu.memref_slice %arg9[%mul3A_66, %dma_wait3A_82] : memref<10000x128xf32, #tpu.memory_space<vmem_shared>> -> memref<40x128xf32, #tpu.memory_space<vmem_shared>>
          %dma_wait3A_84 = arith.constant 0 : i32
          %dma_wait3A_85 = arith.constant 0 : i32
          %dma_wait3A_86 = tpu.memref_slice %arg8[%dma_wait3A_84, %dma_wait3A_85] : memref<125x128xf32, #tpu.memory_space<vmem>> -> memref<40x128xf32, #tpu.memory_space<vmem>>
          tpu.wait_dma2 semaphore(%run_scoped3A : memref<!tpu.dma_semaphore, #tpu.memory_space<semaphore_mem>>) src(%dma_wait3A_86 : memref<40x128xf32, #tpu.memory_space<vmem>>) dst(%dma_wait3A_83 : memref<40x128xf32, #tpu.memory_space<vmem_shared>>)
          tpu.yield
        }) : () -> ()
      } else {
      }
    }
    %scan3A_25 = arith.constant 16 : i32
    %dma_wait3A = arith.constant 0 : i32
    %dma_wait3A_26 = arith.constant 0 : i32
    %dma_wait3A_27 = tpu.memref_slice %arg3[%add3A, %dma_wait3A, %dma_wait3A_26] : memref<32x80x125xi32, #tpu.memory_space<hbm>> -> memref<1x80x125xi32, #tpu.memory_space<hbm>>
    %dma_wait3A_28 = tpu.memref_squeeze %dma_wait3A_27 : memref<1x80x125xi32, #tpu.memory_space<hbm>> -> memref<80x125xi32, #tpu.memory_space<hbm>>
    %dma_wait3A_29 = arith.constant 0 : i32
    %dma_wait3A_30 = arith.constant 0 : i32
    %dma_wait3A_31 = tpu.memref_slice %arg3[%add3A, %dma_wait3A_29, %dma_wait3A_30] : memref<32x80x125xi32, #tpu.memory_space<hbm>> -> memref<1x80x125xi32, #tpu.memory_space<hbm>>
    %dma_wait3A_32 = tpu.memref_squeeze %dma_wait3A_31 : memref<1x80x125xi32, #tpu.memory_space<hbm>> -> memref<80x125xi32, #tpu.memory_space<hbm>>
    tpu.wait_dma2 semaphore(%arg10 : memref<!tpu.dma_semaphore, #tpu.memory_space<semaphore_mem>>) src(%dma_wait3A_32 : memref<80x125xi32, #tpu.memory_space<hbm>>) dst(%arg6 : memref<80x125xi32, #tpu.memory_space<vmem>>)
    %dma_wait3A_33 = arith.constant 0 : i32
    %dma_wait3A_34 = arith.constant 0 : i32
    %dma_wait3A_35 = tpu.memref_slice %arg4[%add3A, %dma_wait3A_33, %dma_wait3A_34] : memref<32x80x125xi32, #tpu.memory_space<hbm>> -> memref<1x80x125xi32, #tpu.memory_space<hbm>>
    %dma_wait3A_36 = tpu.memref_squeeze %dma_wait3A_35 : memref<1x80x125xi32, #tpu.memory_space<hbm>> -> memref<80x125xi32, #tpu.memory_space<hbm>>
    %dma_wait3A_37 = arith.constant 0 : i32
    %dma_wait3A_38 = arith.constant 0 : i32
    %dma_wait3A_39 = tpu.memref_slice %arg4[%add3A, %dma_wait3A_37, %dma_wait3A_38] : memref<32x80x125xi32, #tpu.memory_space<hbm>> -> memref<1x80x125xi32, #tpu.memory_space<hbm>>
    %dma_wait3A_40 = tpu.memref_squeeze %dma_wait3A_39 : memref<1x80x125xi32, #tpu.memory_space<hbm>> -> memref<80x125xi32, #tpu.memory_space<hbm>>
    tpu.wait_dma2 semaphore(%arg11 : memref<!tpu.dma_semaphore, #tpu.memory_space<semaphore_mem>>) src(%dma_wait3A_40 : memref<80x125xi32, #tpu.memory_space<hbm>>) dst(%arg7 : memref<80x125xi32, #tpu.memory_space<vmem>>)
    %barrier3A = arith.constant 0 : index
    tpu.barrier barrier_id(%barrier3A)
    %scan3A_41 = arith.constant 0 : i32
    %scan3A_42 = arith.constant 80 : i32
    %scan3A_43 = arith.addi %scan3A_41, %scan3A_42 : i32
    %scan3A_44 = arith.constant 1 : i32
    scf.for %scan3A_53 = %scan3A_41 to %scan3A_43 step %scan3A_44  : i32 {
      %mul3A_54 = arith.constant 1 : i32
      %mul3A_55 = arith.muli %scan3A_53, %mul3A_54 : i32
      %add3A_56 = arith.constant 0 : i32
      %add3A_57 = arith.addi %add3A_56, %mul3A_55 : i32
      %dma_start3A_58 = arith.constant 0 : i32
      %dma_start3A_59 = tpu.memref_slice %arg6[%add3A_57, %dma_start3A_58] : memref<80x125xi32, #tpu.memory_space<vmem>> -> memref<1x125xi32, #tpu.memory_space<vmem>>
      %dma_start3A_60 = tpu.memref_squeeze %dma_start3A_59 : memref<1x125xi32, #tpu.memory_space<vmem>> -> memref<125xi32, #tpu.memory_space<vmem>>
      %dma_start3A_61 = arith.constant 0 : i32
      %dma_start3A_62 = arith.constant 0 : i32
      %dma_start3A_63 = tpu.memref_slice %arg2[%dma_start3A_61, %dma_start3A_62] : memref<10000x128xf32, #tpu.memory_space<hbm>> -> memref<10000x128xf32, #tpu.memory_space<hbm>>
      tpu.enqueue_indirect_dma source(%dma_start3A_63 : memref<10000x128xf32, #tpu.memory_space<hbm>>) target(%arg8 : memref<125x128xf32, #tpu.memory_space<vmem>>) offsets(%dma_start3A_60 : memref<125xi32, #tpu.memory_space<vmem>>) semaphore(%arg10 : memref<!tpu.dma_semaphore, #tpu.memory_space<semaphore_mem>>)
      %dma_wait3A_64 = arith.constant 0 : i32
      %dma_wait3A_65 = tpu.memref_slice %arg6[%add3A_57, %dma_wait3A_64] : memref<80x125xi32, #tpu.memory_space<vmem>> -> memref<1x125xi32, #tpu.memory_space<vmem>>
      %dma_wait3A_66 = tpu.memref_squeeze %dma_wait3A_65 : memref<1x125xi32, #tpu.memory_space<vmem>> -> memref<125xi32, #tpu.memory_space<vmem>>
      %dma_wait3A_67 = arith.constant 0 : i32
      %dma_wait3A_68 = arith.constant 0 : i32
      %dma_wait3A_69 = tpu.memref_slice %arg2[%dma_wait3A_67, %dma_wait3A_68] : memref<10000x128xf32, #tpu.memory_space<hbm>> -> memref<10000x128xf32, #tpu.memory_space<hbm>>
      tpu.wait_indirect_dma semaphore(%arg10 : memref<!tpu.dma_semaphore, #tpu.memory_space<semaphore_mem>>) src(%dma_wait3A_69 : memref<10000x128xf32, #tpu.memory_space<hbm>>) dst(%arg8 : memref<125x128xf32, #tpu.memory_space<vmem>>)
      "tpu.region"() ({
        %run_scoped3A = tpu.sem_alloc : memref<!tpu.dma_semaphore, #tpu.memory_space<semaphore_mem>>
        %dma_start3A_70 = arith.constant 0 : i32
        %dma_start3A_71 = tpu.memref_slice %arg7[%add3A_57, %dma_start3A_70] : memref<80x125xi32, #tpu.memory_space<vmem>> -> memref<1x125xi32, #tpu.memory_space<vmem>>
        %dma_start3A_72 = tpu.memref_squeeze %dma_start3A_71 : memref<1x125xi32, #tpu.memory_space<vmem>> -> memref<125xi32, #tpu.memory_space<vmem>>
        %dma_start3A_73 = arith.constant 0 : i32
        %dma_start3A_74 = arith.constant 0 : i32
        %dma_start3A_75 = tpu.memref_slice %arg9[%dma_start3A_73, %dma_start3A_74] : memref<10000x128xf32, #tpu.memory_space<vmem_shared>> -> memref<10000x128xf32, #tpu.memory_space<vmem_shared>>
        tpu.enqueue_indirect_dma source(%arg8 : memref<125x128xf32, #tpu.memory_space<vmem>>) target(%dma_start3A_75 : memref<10000x128xf32, #tpu.memory_space<vmem_shared>>) offsets(%dma_start3A_72 : memref<125xi32, #tpu.memory_space<vmem>>) semaphore(%run_scoped3A : memref<!tpu.dma_semaphore, #tpu.memory_space<semaphore_mem>>) {add = true}
        %dma_wait3A_76 = arith.constant 0 : i32
        %dma_wait3A_77 = tpu.memref_slice %arg7[%add3A_57, %dma_wait3A_76] : memref<80x125xi32, #tpu.memory_space<vmem>> -> memref<1x125xi32, #tpu.memory_space<vmem>>
        %dma_wait3A_78 = tpu.memref_squeeze %dma_wait3A_77 : memref<1x125xi32, #tpu.memory_space<vmem>> -> memref<125xi32, #tpu.memory_space<vmem>>
        %dma_wait3A_79 = arith.constant 0 : i32
        %dma_wait3A_80 = arith.constant 0 : i32
        %dma_wait3A_81 = tpu.memref_slice %arg9[%dma_wait3A_79, %dma_wait3A_80] : memref<10000x128xf32, #tpu.memory_space<vmem_shared>> -> memref<10000x128xf32, #tpu.memory_space<vmem_shared>>
        tpu.wait_indirect_dma semaphore(%run_scoped3A : memref<!tpu.dma_semaphore, #tpu.memory_space<semaphore_mem>>) src(%arg8 : memref<125x128xf32, #tpu.memory_space<vmem>>) dst(%dma_wait3A_81 : memref<10000x128xf32, #tpu.memory_space<vmem_shared>>)
        tpu.yield
      }) : () -> ()
    }
    %scan3A_45 = arith.constant 80 : i32
    %barrier3A_46 = arith.constant 0 : index
    tpu.barrier barrier_id(%barrier3A_46)
    %mul3A_47 = arith.constant 624 : i32
    %mul3A_48 = arith.muli %arg1, %mul3A_47 : i32
    %mul3A_49 = arith.constant 624 : i32
    %mul3A_50 = arith.muli %arg1, %mul3A_49 : i32
    "tpu.region"() ({
      %run_scoped3A = tpu.sem_alloc : memref<!tpu.dma_semaphore, #tpu.memory_space<semaphore_mem>>
      %dma_start3A_53 = arith.constant 0 : i32
      %dma_start3A_54 = tpu.memref_slice %arg5[%arg0, %mul3A_50, %dma_start3A_53] : memref<2x10000x128xf32, #tpu.memory_space<hbm>> -> memref<1x624x128xf32, #tpu.memory_space<hbm>>
      %dma_start3A_55 = tpu.memref_squeeze %dma_start3A_54 : memref<1x624x128xf32, #tpu.memory_space<hbm>> -> memref<624x128xf32, #tpu.memory_space<hbm>>
      %dma_start3A_56 = arith.constant 0 : i32
      %dma_start3A_57 = tpu.memref_slice %arg9[%mul3A_48, %dma_start3A_56] : memref<10000x128xf32, #tpu.memory_space<vmem_shared>> -> memref<624x128xf32, #tpu.memory_space<vmem_shared>>
      tpu.enqueue_dma source(%dma_start3A_57 : memref<624x128xf32, #tpu.memory_space<vmem_shared>>) target(%dma_start3A_55 : memref<624x128xf32, #tpu.memory_space<hbm>>) target_semaphore(%run_scoped3A : memref<!tpu.dma_semaphore, #tpu.memory_space<semaphore_mem>>)
      %dma_wait3A_58 = arith.constant 0 : i32
      %dma_wait3A_59 = tpu.memref_slice %arg5[%arg0, %mul3A_50, %dma_wait3A_58] : memref<2x10000x128xf32, #tpu.memory_space<hbm>> -> memref<1x624x128xf32, #tpu.memory_space<hbm>>
      %dma_wait3A_60 = tpu.memref_squeeze %dma_wait3A_59 : memref<1x624x128xf32, #tpu.memory_space<hbm>> -> memref<624x128xf32, #tpu.memory_space<hbm>>
      %dma_wait3A_61 = arith.constant 0 : i32
      %dma_wait3A_62 = tpu.memref_slice %arg9[%mul3A_48, %dma_wait3A_61] : memref<10000x128xf32, #tpu.memory_space<vmem_shared>> -> memref<624x128xf32, #tpu.memory_space<vmem_shared>>
      tpu.wait_dma2 semaphore(%run_scoped3A : memref<!tpu.dma_semaphore, #tpu.memory_space<semaphore_mem>>) src(%dma_wait3A_62 : memref<624x128xf32, #tpu.memory_space<vmem_shared>>) dst(%dma_wait3A_60 : memref<624x128xf32, #tpu.memory_space<hbm>>)
      tpu.yield
    }) : () -> ()
    %eq3A = arith.constant 0 : i32
    %eq3A_51 = arith.cmpi eq, %arg1, %eq3A : i32
    %convert_element_type3A = arith.extui %eq3A_51 : i1 to i32
    %cond3A = arith.constant 0 : i32
    %cond3A_52 = arith.cmpi ne, %convert_element_type3A, %cond3A : i32
    scf.if %cond3A_52 {
      "tpu.region"() ({
        %run_scoped3A = tpu.sem_alloc : memref<!tpu.dma_semaphore, #tpu.memory_space<semaphore_mem>>
        %dma_start3A_53 = arith.constant 9984 : i32
        %dma_start3A_54 = arith.constant 0 : i32
        %dma_start3A_55 = tpu.memref_slice %arg5[%arg0, %dma_start3A_53, %dma_start3A_54] : memref<2x10000x128xf32, #tpu.memory_space<hbm>> -> memref<1x16x128xf32, #tpu.memory_space<hbm>>
        %dma_start3A_56 = tpu.memref_squeeze %dma_start3A_55 : memref<1x16x128xf32, #tpu.memory_space<hbm>> -> memref<16x128xf32, #tpu.memory_space<hbm>>
        %dma_start3A_57 = arith.constant 9984 : i32
        %dma_start3A_58 = arith.constant 0 : i32
        %dma_start3A_59 = tpu.memref_slice %arg9[%dma_start3A_57, %dma_start3A_58] : memref<10000x128xf32, #tpu.memory_space<vmem_shared>> -> memref<16x128xf32, #tpu.memory_space<vmem_shared>>
        tpu.enqueue_dma source(%dma_start3A_59 : memref<16x128xf32, #tpu.memory_space<vmem_shared>>) target(%dma_start3A_56 : memref<16x128xf32, #tpu.memory_space<hbm>>) target_semaphore(%run_scoped3A : memref<!tpu.dma_semaphore, #tpu.memory_space<semaphore_mem>>)
        %dma_wait3A_60 = arith.constant 9984 : i32
        %dma_wait3A_61 = arith.constant 0 : i32
        %dma_wait3A_62 = tpu.memref_slice %arg5[%arg0, %dma_wait3A_60, %dma_wait3A_61] : memref<2x10000x128xf32, #tpu.memory_space<hbm>> -> memref<1x16x128xf32, #tpu.memory_space<hbm>>
        %dma_wait3A_63 = tpu.memref_squeeze %dma_wait3A_62 : memref<1x16x128xf32, #tpu.memory_space<hbm>> -> memref<16x128xf32, #tpu.memory_space<hbm>>
        %dma_wait3A_64 = arith.constant 9984 : i32
        %dma_wait3A_65 = arith.constant 0 : i32
        %dma_wait3A_66 = tpu.memref_slice %arg9[%dma_wait3A_64, %dma_wait3A_65] : memref<10000x128xf32, #tpu.memory_space<vmem_shared>> -> memref<16x128xf32, #tpu.memory_space<vmem_shared>>
        tpu.wait_dma2 semaphore(%run_scoped3A : memref<!tpu.dma_semaphore, #tpu.memory_space<semaphore_mem>>) src(%dma_wait3A_66 : memref<16x128xf32, #tpu.memory_space<vmem_shared>>) dst(%dma_wait3A_63 : memref<16x128xf32, #tpu.memory_space<hbm>>)
        tpu.yield
      }) : () -> ()
    } else {
    }
    return
  }
}

#map = affine_map<(d0, d1) -> (0, 0)>
#map1 = affine_map<(d0, d1) -> (0, 0, 0)>
module attributes {stable_mosaic.version = 14 : i64} {
  func.func @agg_kernel(%arg0: i32, %arg1: i32, %arg2: memref<10000x128xf32, #tpu.memory_space<hbm>>, %arg3: memref<32x80x125xi32, #tpu.memory_space<hbm>>, %arg4: memref<32x80x125xi32, #tpu.memory_space<hbm>>, %arg5: memref<2x10000x128xf32, #tpu.memory_space<hbm>>, %arg6: memref<80x125xi32, #tpu.memory_space<vmem>>, %arg7: memref<80x125xi32, #tpu.memory_space<vmem>>, %arg8: memref<125x128xf32, #tpu.memory_space<vmem>>, %arg9: memref<10000x128xf32, #tpu.memory_space<vmem_shared>>, %arg10: memref<!tpu.dma_semaphore, #tpu.memory_space<semaphore_mem>>, %arg11: memref<!tpu.dma_semaphore, #tpu.memory_space<semaphore_mem>>) attributes {dimension_semantics = [#tpu.dimension_semantics<core_parallel>, #tpu.dimension_semantics<subcore_parallel>], iteration_bounds = array<i64: 2, 16>, scalar_prefetch = 0 : i64, scratch_operands = 6 : i64, tpu.core_type = #tpu.core_type<sc_vector_subcore>, window_params = [{transform_indices = #map}, {transform_indices = #map1}, {transform_indices = #map1}, {transform_indices = #map1}]} {
    %mul3A = arith.constant 16 : i32
    %mul3A_0 = arith.muli %arg0, %mul3A : i32
    %add3A = arith.addi %mul3A_0, %arg1 : i32
    %dma_start3A = arith.constant 0 : i32
    %dma_start3A_1 = arith.constant 0 : i32
    %dma_start3A_2 = tpu.memref_slice %arg3[%add3A, %dma_start3A, %dma_start3A_1] : memref<32x80x125xi32, #tpu.memory_space<hbm>> -> memref<1x80x125xi32, #tpu.memory_space<hbm>>
    %dma_start3A_3 = tpu.memref_squeeze %dma_start3A_2 : memref<1x80x125xi32, #tpu.memory_space<hbm>> -> memref<80x125xi32, #tpu.memory_space<hbm>>
    %dma_start3A_4 = arith.constant 0 : i32
    %dma_start3A_5 = arith.constant 0 : i32
    %dma_start3A_6 = tpu.memref_slice %arg3[%add3A, %dma_start3A_4, %dma_start3A_5] : memref<32x80x125xi32, #tpu.memory_space<hbm>> -> memref<1x80x125xi32, #tpu.memory_space<hbm>>
    %dma_start3A_7 = tpu.memref_squeeze %dma_start3A_6 : memref<1x80x125xi32, #tpu.memory_space<hbm>> -> memref<80x125xi32, #tpu.memory_space<hbm>>
    tpu.enqueue_dma source(%dma_start3A_7 : memref<80x125xi32, #tpu.memory_space<hbm>>) target(%arg6 : memref<80x125xi32, #tpu.memory_space<vmem>>) target_semaphore(%arg10 : memref<!tpu.dma_semaphore, #tpu.memory_space<semaphore_mem>>)
    %dma_start3A_8 = arith.constant 0 : i32
    %dma_start3A_9 = arith.constant 0 : i32
    %dma_start3A_10 = tpu.memref_slice %arg4[%add3A, %dma_start3A_8, %dma_start3A_9] : memref<32x80x125xi32, #tpu.memory_space<hbm>> -> memref<1x80x125xi32, #tpu.memory_space<hbm>>
    %dma_start3A_11 = tpu.memref_squeeze %dma_start3A_10 : memref<1x80x125xi32, #tpu.memory_space<hbm>> -> memref<80x125xi32, #tpu.memory_space<hbm>>
    %dma_start3A_12 = arith.constant 0 : i32
    %dma_start3A_13 = arith.constant 0 : i32
    %dma_start3A_14 = tpu.memref_slice %arg4[%add3A, %dma_start3A_12, %dma_start3A_13] : memref<32x80x125xi32, #tpu.memory_space<hbm>> -> memref<1x80x125xi32, #tpu.memory_space<hbm>>
    %dma_start3A_15 = tpu.memref_squeeze %dma_start3A_14 : memref<1x80x125xi32, #tpu.memory_space<hbm>> -> memref<80x125xi32, #tpu.memory_space<hbm>>
    tpu.enqueue_dma source(%dma_start3A_15 : memref<80x125xi32, #tpu.memory_space<hbm>>) target(%arg7 : memref<80x125xi32, #tpu.memory_space<vmem>>) target_semaphore(%arg11 : memref<!tpu.dma_semaphore, #tpu.memory_space<semaphore_mem>>)
    %broadcast_in_dim3A = arith.constant 0.000000e+00 : f32
    %broadcast_in_dim3A_16 = vector.broadcast %broadcast_in_dim3A : f32 to vector<16xf32>
    %scan3A = arith.constant 0 : i32
    %scan3A_17 = arith.constant 125 : i32
    %scan3A_18 = arith.addi %scan3A, %scan3A_17 : i32
    %scan3A_19 = arith.constant 1 : i32
    scf.for %scan3A_53 = %scan3A to %scan3A_18 step %scan3A_19  : i32 {
      %mul3A_54 = arith.constant 1 : i32
      %mul3A_55 = arith.muli %scan3A_53, %mul3A_54 : i32
      %add3A_56 = arith.constant 0 : i32
      %add3A_57 = arith.addi %add3A_56, %mul3A_55 : i32
      %scan3A_58 = arith.constant 0 : i32
      %scan3A_59 = arith.constant 8 : i32
      %scan3A_60 = arith.addi %scan3A_58, %scan3A_59 : i32
      %scan3A_61 = arith.constant 1 : i32
      scf.for %scan3A_63 = %scan3A_58 to %scan3A_60 step %scan3A_61  : i32 {
        %mul3A_64 = arith.constant 16 : i32
        %mul3A_65 = arith.muli %scan3A_63, %mul3A_64 : i32
        %add3A_66 = arith.constant 0 : i32
        %add3A_67 = arith.addi %add3A_66, %mul3A_65 : i32
        %swap3A = arith.index_cast %add3A_57 : i32 to index
        %swap3A_68 = arith.index_cast %add3A_67 : i32 to index
        %swap3A_69 = tpu.vector_load %arg8[%swap3A, %swap3A_68] {strides = array<i32>} : memref<125x128xf32, #tpu.memory_space<vmem>>, vector<1x16xf32>,
        %swap3A_70 = vector.shape_cast %swap3A_69 : vector<1x16xf32> to vector<16xf32>
        %swap3A_71 = vector.shape_cast %broadcast_in_dim3A_16 : vector<16xf32> to vector<1x16xf32>
        tpu.vector_store %arg8[%swap3A, %swap3A_68], %swap3A_71 {strides = array<i32>} : memref<125x128xf32, #tpu.memory_space<vmem>>, vector<1x16xf32>,
      }
      %scan3A_62 = arith.constant 8 : i32
    }
    %scan3A_20 = arith.constant 125 : i32
    %scan3A_21 = arith.constant 0 : i32
    %scan3A_22 = arith.constant 16 : i32
    %scan3A_23 = arith.addi %scan3A_21, %scan3A_22 : i32
    %scan3A_24 = arith.constant 1 : i32
    scf.for %scan3A_53 = %scan3A_21 to %scan3A_23 step %scan3A_24  : i32 {
      %mul3A_54 = arith.constant 1 : i32
      %mul3A_55 = arith.muli %scan3A_53, %mul3A_54 : i32
      %add3A_56 = arith.constant 0 : i32
      %add3A_57 = arith.addi %add3A_56, %mul3A_55 : i32
      %mul3A_58 = arith.constant 16 : i32
      %mul3A_59 = arith.muli %add3A_57, %mul3A_58 : i32
      %add3A_60 = arith.addi %arg1, %mul3A_59 : i32
      %lt3A = arith.constant 250 : i32
      %lt3A_61 = arith.cmpi slt, %add3A_60, %lt3A : i32
      %convert_element_type3A_62 = arith.extui %lt3A_61 : i1 to i32
      %cond3A_63 = arith.constant 0 : i32
      %cond3A_64 = arith.cmpi ne, %convert_element_type3A_62, %cond3A_63 : i32
      scf.if %cond3A_64 {
        %mul3A_65 = arith.constant 40 : i32
        %mul3A_66 = arith.muli %add3A_60, %mul3A_65 : i32
        "tpu.region"() ({
          %run_scoped3A = tpu.sem_alloc : memref<!tpu.dma_semaphore, #tpu.memory_space<semaphore_mem>>
          %dma_start3A_67 = arith.constant 0 : i32
          %dma_start3A_68 = arith.constant 0 : i32
          %dma_start3A_69 = tpu.memref_slice %arg8[%dma_start3A_67, %dma_start3A_68] : memref<125x128xf32, #tpu.memory_space<vmem>> -> memref<40x128xf32, #tpu.memory_space<vmem>>
          %dma_start3A_70 = arith.constant 0 : i32
          %dma_start3A_71 = tpu.memref_slice %arg9[%mul3A_66, %dma_start3A_70] : memref<10000x128xf32, #tpu.memory_space<vmem_shared>> -> memref<40x128xf32, #tpu.memory_space<vmem_shared>>
          %dma_start3A_72 = arith.constant 0 : i32
          %dma_start3A_73 = tpu.memref_slice %arg9[%mul3A_66, %dma_start3A_72] : memref<10000x128xf32, #tpu.memory_space<vmem_shared>> -> memref<40x128xf32, #tpu.memory_space<vmem_shared>>
          %dma_start3A_74 = arith.constant 0 : i32
          %dma_start3A_75 = arith.constant 0 : i32
          %dma_start3A_76 = tpu.memref_slice %arg8[%dma_start3A_74, %dma_start3A_75] : memref<125x128xf32, #tpu.memory_space<vmem>> -> memref<40x128xf32, #tpu.memory_space<vmem>>
          tpu.enqueue_dma source(%dma_start3A_76 : memref<40x128xf32, #tpu.memory_space<vmem>>) target(%dma_start3A_73 : memref<40x128xf32, #tpu.memory_space<vmem_shared>>) target_semaphore(%run_scoped3A : memref<!tpu.dma_semaphore, #tpu.memory_space<semaphore_mem>>)
          %dma_wait3A_77 = arith.constant 0 : i32
          %dma_wait3A_78 = arith.constant 0 : i32
          %dma_wait3A_79 = tpu.memref_slice %arg8[%dma_wait3A_77, %dma_wait3A_78] : memref<125x128xf32, #tpu.memory_space<vmem>> -> memref<40x128xf32, #tpu.memory_space<vmem>>
          %dma_wait3A_80 = arith.constant 0 : i32
          %dma_wait3A_81 = tpu.memref_slice %arg9[%mul3A_66, %dma_wait3A_80] : memref<10000x128xf32, #tpu.memory_space<vmem_shared>> -> memref<40x128xf32, #tpu.memory_space<vmem_shared>>
          %dma_wait3A_82 = arith.constant 0 : i32
          %dma_wait3A_83 = tpu.memref_slice %arg9[%mul3A_66, %dma_wait3A_82] : memref<10000x128xf32, #tpu.memory_space<vmem_shared>> -> memref<40x128xf32, #tpu.memory_space<vmem_shared>>
          %dma_wait3A_84 = arith.constant 0 : i32
          %dma_wait3A_85 = arith.constant 0 : i32
          %dma_wait3A_86 = tpu.memref_slice %arg8[%dma_wait3A_84, %dma_wait3A_85] : memref<125x128xf32, #tpu.memory_space<vmem>> -> memref<40x128xf32, #tpu.memory_space<vmem>>
          tpu.wait_dma2 semaphore(%run_scoped3A : memref<!tpu.dma_semaphore, #tpu.memory_space<semaphore_mem>>) src(%dma_wait3A_86 : memref<40x128xf32, #tpu.memory_space<vmem>>) dst(%dma_wait3A_83 : memref<40x128xf32, #tpu.memory_space<vmem_shared>>)
          tpu.yield
        }) : () -> ()
      } else {
      }
    }
    %scan3A_25 = arith.constant 16 : i32
    %dma_wait3A = arith.constant 0 : i32
    %dma_wait3A_26 = arith.constant 0 : i32
    %dma_wait3A_27 = tpu.memref_slice %arg3[%add3A, %dma_wait3A, %dma_wait3A_26] : memref<32x80x125xi32, #tpu.memory_space<hbm>> -> memref<1x80x125xi32, #tpu.memory_space<hbm>>
    %dma_wait3A_28 = tpu.memref_squeeze %dma_wait3A_27 : memref<1x80x125xi32, #tpu.memory_space<hbm>> -> memref<80x125xi32, #tpu.memory_space<hbm>>
    %dma_wait3A_29 = arith.constant 0 : i32
    %dma_wait3A_30 = arith.constant 0 : i32
    %dma_wait3A_31 = tpu.memref_slice %arg3[%add3A, %dma_wait3A_29, %dma_wait3A_30] : memref<32x80x125xi32, #tpu.memory_space<hbm>> -> memref<1x80x125xi32, #tpu.memory_space<hbm>>
    %dma_wait3A_32 = tpu.memref_squeeze %dma_wait3A_31 : memref<1x80x125xi32, #tpu.memory_space<hbm>> -> memref<80x125xi32, #tpu.memory_space<hbm>>
    tpu.wait_dma2 semaphore(%arg10 : memref<!tpu.dma_semaphore, #tpu.memory_space<semaphore_mem>>) src(%dma_wait3A_32 : memref<80x125xi32, #tpu.memory_space<hbm>>) dst(%arg6 : memref<80x125xi32, #tpu.memory_space<vmem>>)
    %dma_wait3A_33 = arith.constant 0 : i32
    %dma_wait3A_34 = arith.constant 0 : i32
    %dma_wait3A_35 = tpu.memref_slice %arg4[%add3A, %dma_wait3A_33, %dma_wait3A_34] : memref<32x80x125xi32, #tpu.memory_space<hbm>> -> memref<1x80x125xi32, #tpu.memory_space<hbm>>
    %dma_wait3A_36 = tpu.memref_squeeze %dma_wait3A_35 : memref<1x80x125xi32, #tpu.memory_space<hbm>> -> memref<80x125xi32, #tpu.memory_space<hbm>>
    %dma_wait3A_37 = arith.constant 0 : i32
    %dma_wait3A_38 = arith.constant 0 : i32
    %dma_wait3A_39 = tpu.memref_slice %arg4[%add3A, %dma_wait3A_37, %dma_wait3A_38] : memref<32x80x125xi32, #tpu.memory_space<hbm>> -> memref<1x80x125xi32, #tpu.memory_space<hbm>>
    %dma_wait3A_40 = tpu.memref_squeeze %dma_wait3A_39 : memref<1x80x125xi32, #tpu.memory_space<hbm>> -> memref<80x125xi32, #tpu.memory_space<hbm>>
    tpu.wait_dma2 semaphore(%arg11 : memref<!tpu.dma_semaphore, #tpu.memory_space<semaphore_mem>>) src(%dma_wait3A_40 : memref<80x125xi32, #tpu.memory_space<hbm>>) dst(%arg7 : memref<80x125xi32, #tpu.memory_space<vmem>>)
    %barrier3A = arith.constant 0 : index
    tpu.barrier barrier_id(%barrier3A)
    %scan3A_41 = arith.constant 0 : i32
    %scan3A_42 = arith.constant 80 : i32
    %scan3A_43 = arith.addi %scan3A_41, %scan3A_42 : i32
    %scan3A_44 = arith.constant 1 : i32
    scf.for %scan3A_53 = %scan3A_41 to %scan3A_43 step %scan3A_44  : i32 {
      %mul3A_54 = arith.constant 1 : i32
      %mul3A_55 = arith.muli %scan3A_53, %mul3A_54 : i32
      %add3A_56 = arith.constant 0 : i32
      %add3A_57 = arith.addi %add3A_56, %mul3A_55 : i32
      %dma_start3A_58 = arith.constant 0 : i32
      %dma_start3A_59 = tpu.memref_slice %arg6[%add3A_57, %dma_start3A_58] : memref<80x125xi32, #tpu.memory_space<vmem>> -> memref<1x125xi32, #tpu.memory_space<vmem>>
      %dma_start3A_60 = tpu.memref_squeeze %dma_start3A_59 : memref<1x125xi32, #tpu.memory_space<vmem>> -> memref<125xi32, #tpu.memory_space<vmem>>
      %dma_start3A_61 = arith.constant 0 : i32
      %dma_start3A_62 = arith.constant 0 : i32
      %dma_start3A_63 = tpu.memref_slice %arg2[%dma_start3A_61, %dma_start3A_62] : memref<10000x128xf32, #tpu.memory_space<hbm>> -> memref<10000x128xf32, #tpu.memory_space<hbm>>
      tpu.enqueue_indirect_dma source(%dma_start3A_63 : memref<10000x128xf32, #tpu.memory_space<hbm>>) target(%arg8 : memref<125x128xf32, #tpu.memory_space<vmem>>) offsets(%dma_start3A_60 : memref<125xi32, #tpu.memory_space<vmem>>) semaphore(%arg10 : memref<!tpu.dma_semaphore, #tpu.memory_space<semaphore_mem>>)
      %dma_wait3A_64 = arith.constant 0 : i32
      %dma_wait3A_65 = tpu.memref_slice %arg6[%add3A_57, %dma_wait3A_64] : memref<80x125xi32, #tpu.memory_space<vmem>> -> memref<1x125xi32, #tpu.memory_space<vmem>>
      %dma_wait3A_66 = tpu.memref_squeeze %dma_wait3A_65 : memref<1x125xi32, #tpu.memory_space<vmem>> -> memref<125xi32, #tpu.memory_space<vmem>>
      %dma_wait3A_67 = arith.constant 0 : i32
      %dma_wait3A_68 = arith.constant 0 : i32
      %dma_wait3A_69 = tpu.memref_slice %arg2[%dma_wait3A_67, %dma_wait3A_68] : memref<10000x128xf32, #tpu.memory_space<hbm>> -> memref<10000x128xf32, #tpu.memory_space<hbm>>
      tpu.wait_indirect_dma semaphore(%arg10 : memref<!tpu.dma_semaphore, #tpu.memory_space<semaphore_mem>>) src(%dma_wait3A_69 : memref<10000x128xf32, #tpu.memory_space<hbm>>) dst(%arg8 : memref<125x128xf32, #tpu.memory_space<vmem>>)
      "tpu.region"() ({
        %run_scoped3A = tpu.sem_alloc : memref<!tpu.dma_semaphore, #tpu.memory_space<semaphore_mem>>
        %dma_start3A_70 = arith.constant 0 : i32
        %dma_start3A_71 = tpu.memref_slice %arg7[%add3A_57, %dma_start3A_70] : memref<80x125xi32, #tpu.memory_space<vmem>> -> memref<1x125xi32, #tpu.memory_space<vmem>>
        %dma_start3A_72 = tpu.memref_squeeze %dma_start3A_71 : memref<1x125xi32, #tpu.memory_space<vmem>> -> memref<125xi32, #tpu.memory_space<vmem>>
        %dma_start3A_73 = arith.constant 0 : i32
        %dma_start3A_74 = arith.constant 0 : i32
        %dma_start3A_75 = tpu.memref_slice %arg9[%dma_start3A_73, %dma_start3A_74] : memref<10000x128xf32, #tpu.memory_space<vmem_shared>> -> memref<10000x128xf32, #tpu.memory_space<vmem_shared>>
        tpu.enqueue_indirect_dma source(%arg8 : memref<125x128xf32, #tpu.memory_space<vmem>>) target(%dma_start3A_75 : memref<10000x128xf32, #tpu.memory_space<vmem_shared>>) offsets(%dma_start3A_72 : memref<125xi32, #tpu.memory_space<vmem>>) semaphore(%run_scoped3A : memref<!tpu.dma_semaphore, #tpu.memory_space<semaphore_mem>>) {add = true}
        %dma_wait3A_76 = arith.constant 0 : i32
        %dma_wait3A_77 = tpu.memref_slice %arg7[%add3A_57, %dma_wait3A_76] : memref<80x125xi32, #tpu.memory_space<vmem>> -> memref<1x125xi32, #tpu.memory_space<vmem>>
        %dma_wait3A_78 = tpu.memref_squeeze %dma_wait3A_77 : memref<1x125xi32, #tpu.memory_space<vmem>> -> memref<125xi32, #tpu.memory_space<vmem>>
        %dma_wait3A_79 = arith.constant 0 : i32
        %dma_wait3A_80 = arith.constant 0 : i32
        %dma_wait3A_81 = tpu.memref_slice %arg9[%dma_wait3A_79, %dma_wait3A_80] : memref<10000x128xf32, #tpu.memory_space<vmem_shared>> -> memref<10000x128xf32, #tpu.memory_space<vmem_shared>>
        tpu.wait_indirect_dma semaphore(%run_scoped3A : memref<!tpu.dma_semaphore, #tpu.memory_space<semaphore_mem>>) src(%arg8 : memref<125x128xf32, #tpu.memory_space<vmem>>) dst(%dma_wait3A_81 : memref<10000x128xf32, #tpu.memory_space<vmem_shared>>)
        tpu.yield
      }) : () -> ()
    }
    %scan3A_45 = arith.constant 80 : i32
    %barrier3A_46 = arith.constant 0 : index
    tpu.barrier barrier_id(%barrier3A_46)
    %mul3A_47 = arith.constant 624 : i32
    %mul3A_48 = arith.muli %arg1, %mul3A_47 : i32
    %mul3A_49 = arith.constant 624 : i32
    %mul3A_50 = arith.muli %arg1, %mul3A_49 : i32
    "tpu.region"() ({
      %run_scoped3A = tpu.sem_alloc : memref<!tpu.dma_semaphore, #tpu.memory_space<semaphore_mem>>
      %dma_start3A_53 = arith.constant 0 : i32
      %dma_start3A_54 = tpu.memref_slice %arg5[%arg0, %mul3A_50, %dma_start3A_53] : memref<2x10000x128xf32, #tpu.memory_space<hbm>> -> memref<1x624x128xf32, #tpu.memory_space<hbm>>
      %dma_start3A_55 = tpu.memref_squeeze %dma_start3A_54 : memref<1x624x128xf32, #tpu.memory_space<hbm>> -> memref<624x128xf32, #tpu.memory_space<hbm>>
      %dma_start3A_56 = arith.constant 0 : i32
      %dma_start3A_57 = tpu.memref_slice %arg9[%mul3A_48, %dma_start3A_56] : memref<10000x128xf32, #tpu.memory_space<vmem_shared>> -> memref<624x128xf32, #tpu.memory_space<vmem_shared>>
      tpu.enqueue_dma source(%dma_start3A_57 : memref<624x128xf32, #tpu.memory_space<vmem_shared>>) target(%dma_start3A_55 : memref<624x128xf32, #tpu.memory_space<hbm>>) target_semaphore(%run_scoped3A : memref<!tpu.dma_semaphore, #tpu.memory_space<semaphore_mem>>)
      %dma_wait3A_58 = arith.constant 0 : i32
      %dma_wait3A_59 = tpu.memref_slice %arg5[%arg0, %mul3A_50, %dma_wait3A_58] : memref<2x10000x128xf32, #tpu.memory_space<hbm>> -> memref<1x624x128xf32, #tpu.memory_space<hbm>>
      %dma_wait3A_60 = tpu.memref_squeeze %dma_wait3A_59 : memref<1x624x128xf32, #tpu.memory_space<hbm>> -> memref<624x128xf32, #tpu.memory_space<hbm>>
      %dma_wait3A_61 = arith.constant 0 : i32
      %dma_wait3A_62 = tpu.memref_slice %arg9[%mul3A_48, %dma_wait3A_61] : memref<10000x128xf32, #tpu.memory_space<vmem_shared>> -> memref<624x128xf32, #tpu.memory_space<vmem_shared>>
      tpu.wait_dma2 semaphore(%run_scoped3A : memref<!tpu.dma_semaphore, #tpu.memory_space<semaphore_mem>>) src(%dma_wait3A_62 : memref<624x128xf32, #tpu.memory_space<vmem_shared>>) dst(%dma_wait3A_60 : memref<624x128xf32, #tpu.memory_space<hbm>>)
      tpu.yield
    }) : () -> ()
    %eq3A = arith.constant 0 : i32
    %eq3A_51 = arith.cmpi eq, %arg1, %eq3A : i32
    %convert_element_type3A = arith.extui %eq3A_51 : i1 to i32
    %cond3A = arith.constant 0 : i32
    %cond3A_52 = arith.cmpi ne, %convert_element_type3A, %cond3A : i32
    scf.if %cond3A_52 {
      "tpu.region"() ({
        %run_scoped3A = tpu.sem_alloc : memref<!tpu.dma_semaphore, #tpu.memory_space<semaphore_mem>>
        %dma_start3A_53 = arith.constant 9984 : i32
        %dma_start3A_54 = arith.constant 0 : i32
        %dma_start3A_55 = tpu.memref_slice %arg5[%arg0, %dma_start3A_53, %dma_start3A_54] : memref<2x10000x128xf32, #tpu.memory_space<hbm>> -> memref<1x16x128xf32, #tpu.memory_space<hbm>>
        %dma_start3A_56 = tpu.memref_squeeze %dma_start3A_55 : memref<1x16x128xf32, #tpu.memory_space<hbm>> -> memref<16x128xf32, #tpu.memory_space<hbm>>
        %dma_start3A_57 = arith.constant 9984 : i32
        %dma_start3A_58 = arith.constant 0 : i32
        %dma_start3A_59 = tpu.memref_slice %arg9[%dma_start3A_57, %dma_start3A_58] : memref<10000x128xf32, #tpu.memory_space<vmem_shared>> -> memref<16x128xf32, #tpu.memory_space<vmem_shared>>
        tpu.enqueue_dma source(%dma_start3A_59 : memref<16x128xf32, #tpu.memory_space<vmem_shared>>) target(%dma_start3A_56 : memref<16x128xf32, #tpu.memory_space<hbm>>) target_semaphore(%run_scoped3A : memref<!tpu.dma_semaphore, #tpu.memory_space<semaphore_mem>>)
        %dma_wait3A_60 = arith.constant 9984 : i32
        %dma_wait3A_61 = arith.constant 0 : i32
        %dma_wait3A_62 = tpu.memref_slice %arg5[%arg0, %dma_wait3A_60, %dma_wait3A_61] : memref<2x10000x128xf32, #tpu.memory_space<hbm>> -> memref<1x16x128xf32, #tpu.memory_space<hbm>>
        %dma_wait3A_63 = tpu.memref_squeeze %dma_wait3A_62 : memref<1x16x128xf32, #tpu.memory_space<hbm>> -> memref<16x128xf32, #tpu.memory_space<hbm>>
        %dma_wait3A_64 = arith.constant 9984 : i32
        %dma_wait3A_65 = arith.constant 0 : i32
        %dma_wait3A_66 = tpu.memref_slice %arg9[%dma_wait3A_64, %dma_wait3A_65] : memref<10000x128xf32, #tpu.memory_space<vmem_shared>> -> memref<16x128xf32, #tpu.memory_space<vmem_shared>>
        tpu.wait_dma2 semaphore(%run_scoped3A : memref<!tpu.dma_semaphore, #tpu.memory_space<semaphore_mem>>) src(%dma_wait3A_66 : memref<16x128xf32, #tpu.memory_space<vmem_shared>>) dst(%dma_wait3A_63 : memref<16x128xf32, #tpu.memory_space<hbm>>)
        tpu.yield
      }) : () -> ()
    } else {
    }
    return
  }
}

module attributes {stable_mosaic.version = 14 : i64} {
  func.func @body(%arg0: i32, %arg1: memref<2x2000x128xf32, #tpu.memory_space<vmem>>, %arg2: memref<2000x128xf32, #tpu.memory_space<vmem>>, %arg3: memref<128x128xf32, #tpu.memory_space<vmem>>, %arg4: memref<1x128xf32, #tpu.memory_space<vmem>>, %arg5: memref<128x128xf32, #tpu.memory_space<vmem>>, %arg6: memref<1x128xf32, #tpu.memory_space<vmem>>, %arg7: memref<2000x128xf32, #tpu.memory_space<vmem>>) attributes {dimension_semantics = [#tpu.dimension_semantics<arbitrary>], iteration_bounds = array<i64: 5>, scalar_prefetch = 0 : i64, scratch_operands = 0 : i64, tpu.core_type = #tpu.core_type<tc>, window_params = [{transform_indices = @transform_0, window_bounds = array<i64: 2, 2000, 128>}, {transform_indices = @transform_1, window_bounds = array<i64: 2000, 128>}, {pipeline_mode = #tpu.pipeline_mode<synchronous>, transform_indices = @transform_2, window_bounds = array<i64: 128, 128>}, {pipeline_mode = #tpu.pipeline_mode<synchronous>, transform_indices = @transform_3, window_bounds = array<i64: 1, 128>}, {pipeline_mode = #tpu.pipeline_mode<synchronous>, transform_indices = @transform_4, window_bounds = array<i64: 128, 128>}, {pipeline_mode = #tpu.pipeline_mode<synchronous>, transform_indices = @transform_5, window_bounds = array<i64: 1, 128>}, {transform_indices = @transform_6, window_bounds = array<i64: 2000, 128>}]} {
    %get3A = arith.constant 0 : index
    %get3A_0 = arith.constant 0 : index
    %get3A_1 = arith.constant 0 : index
    %get3A_2 = vector.load %arg1[%get3A, %get3A_0, %get3A_1] : memref<2x2000x128xf32, #tpu.memory_space<vmem>>, vector<1x2000x128xf32>
    %get3A_3 = vector.shape_cast %get3A_2 : vector<1x2000x128xf32> to vector<2000x128xf32>
    %get3A_4 = arith.constant 1 : index
    %get3A_5 = arith.constant 0 : index
    %get3A_6 = arith.constant 0 : index
    %get3A_7 = vector.load %arg1[%get3A_4, %get3A_5, %get3A_6] : memref<2x2000x128xf32, #tpu.memory_space<vmem>>, vector<1x2000x128xf32>
    %get3A_8 = vector.shape_cast %get3A_7 : vector<1x2000x128xf32> to vector<2000x128xf32>
    %add3A = arith.addf %get3A_3, %get3A_8 : vector<2000x128xf32>
    %get3A_9 = arith.constant 0 : index
    %get3A_10 = arith.constant 0 : index
    %get3A_11 = vector.load %arg3[%get3A_9, %get3A_10] : memref<128x128xf32, #tpu.memory_space<vmem>>, vector<128x128xf32>
    %dot_general3A = arith.constant dense<0.000000e+00> : vector<2000x128xf32>
    %dot_general3A_12 = tpu.matmul %add3A, %get3A_11, %dot_general3A {dimension_numbers = #tpu.dot_dimension_numbers<[1], [0], [0], [1], [0, 0, 1, 1], [], []>, transpose_lhs_hint = false} : vector<2000x128xf32>, vector<128x128xf32>, vector<2000x128xf32> -> vector<2000x128xf32>
    %get3A_13 = arith.constant 0 : index
    %get3A_14 = arith.constant 0 : index
    %get3A_15 = vector.load %arg2[%get3A_13, %get3A_14] : memref<2000x128xf32, #tpu.memory_space<vmem>>, vector<2000x128xf32>
    %get3A_16 = arith.constant 0 : index
    %get3A_17 = arith.constant 0 : index
    %get3A_18 = vector.load %arg5[%get3A_16, %get3A_17] : memref<128x128xf32, #tpu.memory_space<vmem>>, vector<128x128xf32>
    %dot_general3A_19 = arith.constant dense<0.000000e+00> : vector<2000x128xf32>
    %dot_general3A_20 = tpu.matmul %get3A_15, %get3A_18, %dot_general3A_19 {dimension_numbers = #tpu.dot_dimension_numbers<[1], [0], [0], [1], [0, 0, 1, 1], [], []>, transpose_lhs_hint = false} : vector<2000x128xf32>, vector<128x128xf32>, vector<2000x128xf32> -> vector<2000x128xf32>
    %get3A_21 = arith.constant 0 : index
    %get3A_22 = arith.constant 0 : index
    %get3A_23 = vector.load %arg4[%get3A_21, %get3A_22] : memref<1x128xf32, #tpu.memory_space<vmem>>, vector<1x128xf32>
    %add3A_24 = vector.broadcast %get3A_23 : vector<1x128xf32> to vector<2000x128xf32>
    %add3A_25 = arith.addf %dot_general3A_12, %add3A_24 : vector<2000x128xf32>
    %max3A = arith.constant 0.000000e+00 : f32
    %max3A_26 = vector.broadcast %max3A : f32 to vector<2000x128xf32>
    %max3A_27 = arith.maximumf %add3A_25, %max3A_26 : vector<2000x128xf32>
    %get3A_28 = arith.constant 0 : index
    %get3A_29 = arith.constant 0 : index
    %get3A_30 = vector.load %arg6[%get3A_28, %get3A_29] : memref<1x128xf32, #tpu.memory_space<vmem>>, vector<1x128xf32>
    %add3A_31 = vector.broadcast %get3A_30 : vector<1x128xf32> to vector<2000x128xf32>
    %add3A_32 = arith.addf %dot_general3A_20, %add3A_31 : vector<2000x128xf32>
    %max3A_33 = arith.constant 0.000000e+00 : f32
    %max3A_34 = vector.broadcast %max3A_33 : f32 to vector<2000x128xf32>
    %max3A_35 = arith.maximumf %add3A_32, %max3A_34 : vector<2000x128xf32>
    %add3A_36 = arith.addf %max3A_27, %max3A_35 : vector<2000x128xf32>
    %swap3A = arith.constant 0 : index
    %swap3A_37 = arith.constant 0 : index
    %swap3A_38 = vector.load %arg7[%swap3A, %swap3A_37] : memref<2000x128xf32, #tpu.memory_space<vmem>>, vector<2000x128xf32>
    tpu.vector_store %arg7[%swap3A, %swap3A_37], %add3A_36 {strides = array<i32>} : memref<2000x128xf32, #tpu.memory_space<vmem>>, vector<2000x128xf32>,
    return
  }
  func.func @transform_0(%arg0: i32) -> (i32, i32, i32) {
    %c0_i32 = arith.constant 0 : i32
    %c0_i32_0 = arith.constant 0 : i32
    %c0_i32_1 = arith.constant 0 : i32
    return %c0_i32, %arg0, %c0_i32_0 : i32, i32, i32
  }
  func.func @transform_1(%arg0: i32) -> (i32, i32) {
    %c0_i32 = arith.constant 0 : i32
    %c0_i32_0 = arith.constant 0 : i32
    return %arg0, %c0_i32 : i32, i32
  }
  func.func @transform_2(%arg0: i32) -> (i32, i32) {
    %c0_i32 = arith.constant 0 : i32
    %c0_i32_0 = arith.constant 0 : i32
    %c0_i32_1 = arith.constant 0 : i32
    return %c0_i32, %c0_i32_0 : i32, i32
  }
  func.func @transform_3(%arg0: i32) -> (i32, i32) {
    %c0_i32 = arith.constant 0 : i32
    %c0_i32_0 = arith.constant 0 : i32
    %c0_i32_1 = arith.constant 0 : i32
    return %c0_i32, %c0_i32_0 : i32, i32
  }
  func.func @transform_4(%arg0: i32) -> (i32, i32) {
    %c0_i32 = arith.constant 0 : i32
    %c0_i32_0 = arith.constant 0 : i32
    %c0_i32_1 = arith.constant 0 : i32
    return %c0_i32, %c0_i32_0 : i32, i32
  }
  func.func @transform_5(%arg0: i32) -> (i32, i32) {
    %c0_i32 = arith.constant 0 : i32
    %c0_i32_0 = arith.constant 0 : i32
    %c0_i32_1 = arith.constant 0 : i32
    return %c0_i32, %c0_i32_0 : i32, i32
  }
  func.func @transform_6(%arg0: i32) -> (i32, i32) {
    %c0_i32 = arith.constant 0 : i32
    %c0_i32_0 = arith.constant 0 : i32
    return %arg0, %c0_i32 : i32, i32
  }
}

module attributes {stable_mosaic.version = 14 : i64} {
  func.func @body(%arg0: i32, %arg1: memref<2x2000x128xf32, #tpu.memory_space<vmem>>, %arg2: memref<2000x128xf32, #tpu.memory_space<vmem>>, %arg3: memref<128x128xf32, #tpu.memory_space<vmem>>, %arg4: memref<1x128xf32, #tpu.memory_space<vmem>>, %arg5: memref<128x128xf32, #tpu.memory_space<vmem>>, %arg6: memref<1x128xf32, #tpu.memory_space<vmem>>, %arg7: memref<128x1xf32, #tpu.memory_space<vmem>>, %arg8: memref<1x1xf32, #tpu.memory_space<vmem>>, %arg9: memref<2000x1xi32, #tpu.memory_space<vmem>>, %arg10: memref<256x128xf32, #tpu.memory_space<vmem>>, %arg11: memref<1x128xf32, #tpu.memory_space<vmem>>, %arg12: memref<1x128xf32, #tpu.memory_space<vmem>>, %arg13: memref<1x128xf32, #tpu.memory_space<vmem>>, %arg14: memref<128x1xf32, #tpu.memory_space<vmem>>, %arg15: memref<1x1xf32, #tpu.memory_space<vmem>>, %arg16: memref<128x1xf32, #tpu.memory_space<vmem>>, %arg17: memref<128x128xf32, #tpu.memory_space<vmem>>, %arg18: memref<128x128xf32, #tpu.memory_space<vmem>>) attributes {dimension_semantics = [#tpu.dimension_semantics<arbitrary>], iteration_bounds = array<i64: 5>, scalar_prefetch = 0 : i64, scratch_operands = 2 : i64, tpu.core_type = #tpu.core_type<tc>, window_params = [{transform_indices = @transform_0, window_bounds = array<i64: 2, 2000, 128>}, {transform_indices = @transform_1, window_bounds = array<i64: 2000, 128>}, {pipeline_mode = #tpu.pipeline_mode<synchronous>, transform_indices = @transform_2, window_bounds = array<i64: 128, 128>}, {pipeline_mode = #tpu.pipeline_mode<synchronous>, transform_indices = @transform_3, window_bounds = array<i64: 1, 128>}, {pipeline_mode = #tpu.pipeline_mode<synchronous>, transform_indices = @transform_4, window_bounds = array<i64: 128, 128>}, {pipeline_mode = #tpu.pipeline_mode<synchronous>, transform_indices = @transform_5, window_bounds = array<i64: 1, 128>}, {pipeline_mode = #tpu.pipeline_mode<synchronous>, transform_indices = @transform_6, window_bounds = array<i64: 128, 1>}, {pipeline_mode = #tpu.pipeline_mode<synchronous>, transform_indices = @transform_7, window_bounds = array<i64: 1, 1>}, {transform_indices = @transform_8, window_bounds = array<i64: 2000, 1>}, {pipeline_mode = #tpu.pipeline_mode<synchronous>, transform_indices = @transform_9, window_bounds = array<i64: 256, 128>}, {pipeline_mode = #tpu.pipeline_mode<synchronous>, transform_indices = @transform_10, window_bounds = array<i64: 1, 128>}, {pipeline_mode = #tpu.pipeline_mode<synchronous>, transform_indices = @transform_11, window_bounds = array<i64: 1, 128>}, {pipeline_mode = #tpu.pipeline_mode<synchronous>, transform_indices = @transform_12, window_bounds = array<i64: 1, 128>}, {pipeline_mode = #tpu.pipeline_mode<synchronous>, transform_indices = @transform_13, window_bounds = array<i64: 128, 1>}, {pipeline_mode = #tpu.pipeline_mode<synchronous>, transform_indices = @transform_14, window_bounds = array<i64: 1, 1>}, {pipeline_mode = #tpu.pipeline_mode<synchronous>, transform_indices = @transform_15, window_bounds = array<i64: 128, 1>}]} {
    %eq3A = arith.constant 0 : i32
    %eq3A_0 = arith.cmpi eq, %arg0, %eq3A : i32
    %convert_element_type3A = arith.extui %eq3A_0 : i1 to i32
    %cond3A = arith.constant 0 : i32
    %cond3A_1 = arith.cmpi ne, %convert_element_type3A, %cond3A : i32
    scf.if %cond3A_1 {
      %broadcast_in_dim3A = arith.constant 0.000000e+00 : f32
      %broadcast_in_dim3A_89 = vector.broadcast %broadcast_in_dim3A : f32 to vector<128x128xf32>
      %swap3A_90 = arith.constant 0 : index
      %swap3A_91 = arith.constant 0 : index
      %swap3A_92 = vector.load %arg17[%swap3A_90, %swap3A_91] : memref<128x128xf32, #tpu.memory_space<vmem>>, vector<128x128xf32>
      tpu.vector_store %arg17[%swap3A_90, %swap3A_91], %broadcast_in_dim3A_89 {strides = array<i32>} : memref<128x128xf32, #tpu.memory_space<vmem>>, vector<128x128xf32>,
      %broadcast_in_dim3A_93 = arith.constant 0xFF800000 : f32
      %broadcast_in_dim3A_94 = vector.broadcast %broadcast_in_dim3A_93 : f32 to vector<128x128xf32>
      %swap3A_95 = arith.constant 0 : index
      %swap3A_96 = arith.constant 0 : index
      %swap3A_97 = vector.load %arg18[%swap3A_95, %swap3A_96] : memref<128x128xf32, #tpu.memory_space<vmem>>, vector<128x128xf32>
      tpu.vector_store %arg18[%swap3A_95, %swap3A_96], %broadcast_in_dim3A_94 {strides = array<i32>} : memref<128x128xf32, #tpu.memory_space<vmem>>, vector<128x128xf32>,
    } else {
    }
    %get3A = arith.constant 0 : index
    %get3A_2 = arith.constant 0 : index
    %get3A_3 = arith.constant 0 : index
    %get3A_4 = vector.load %arg1[%get3A, %get3A_2, %get3A_3] : memref<2x2000x128xf32, #tpu.memory_space<vmem>>, vector<1x2000x128xf32>
    %get3A_5 = vector.shape_cast %get3A_4 : vector<1x2000x128xf32> to vector<2000x128xf32>
    %get3A_6 = arith.constant 1 : index
    %get3A_7 = arith.constant 0 : index
    %get3A_8 = arith.constant 0 : index
    %get3A_9 = vector.load %arg1[%get3A_6, %get3A_7, %get3A_8] : memref<2x2000x128xf32, #tpu.memory_space<vmem>>, vector<1x2000x128xf32>
    %get3A_10 = vector.shape_cast %get3A_9 : vector<1x2000x128xf32> to vector<2000x128xf32>
    %add3A = arith.addf %get3A_5, %get3A_10 : vector<2000x128xf32>
    %get3A_11 = arith.constant 0 : index
    %get3A_12 = arith.constant 0 : index
    %get3A_13 = vector.load %arg3[%get3A_11, %get3A_12] : memref<128x128xf32, #tpu.memory_space<vmem>>, vector<128x128xf32>
    %dot_general3A = arith.constant dense<0.000000e+00> : vector<2000x128xf32>
    %dot_general3A_14 = tpu.matmul %add3A, %get3A_13, %dot_general3A {dimension_numbers = #tpu.dot_dimension_numbers<[1], [0], [0], [1], [0, 0, 1, 1], [], []>, transpose_lhs_hint = false} : vector<2000x128xf32>, vector<128x128xf32>, vector<2000x128xf32> -> vector<2000x128xf32>
    %get3A_15 = arith.constant 0 : index
    %get3A_16 = arith.constant 0 : index
    %get3A_17 = vector.load %arg2[%get3A_15, %get3A_16] : memref<2000x128xf32, #tpu.memory_space<vmem>>, vector<2000x128xf32>
    %get3A_18 = arith.constant 0 : index
    %get3A_19 = arith.constant 0 : index
    %get3A_20 = vector.load %arg5[%get3A_18, %get3A_19] : memref<128x128xf32, #tpu.memory_space<vmem>>, vector<128x128xf32>
    %dot_general3A_21 = arith.constant dense<0.000000e+00> : vector<2000x128xf32>
    %dot_general3A_22 = tpu.matmul %get3A_17, %get3A_20, %dot_general3A_21 {dimension_numbers = #tpu.dot_dimension_numbers<[1], [0], [0], [1], [0, 0, 1, 1], [], []>, transpose_lhs_hint = false} : vector<2000x128xf32>, vector<128x128xf32>, vector<2000x128xf32> -> vector<2000x128xf32>
    %get3A_23 = arith.constant 0 : index
    %get3A_24 = arith.constant 0 : index
    %get3A_25 = vector.load %arg4[%get3A_23, %get3A_24] : memref<1x128xf32, #tpu.memory_space<vmem>>, vector<1x128xf32>
    %add3A_26 = vector.broadcast %get3A_25 : vector<1x128xf32> to vector<2000x128xf32>
    %add3A_27 = arith.addf %dot_general3A_14, %add3A_26 : vector<2000x128xf32>
    %max3A = arith.constant 0.000000e+00 : f32
    %max3A_28 = vector.broadcast %max3A : f32 to vector<2000x128xf32>
    %max3A_29 = arith.maximumf %add3A_27, %max3A_28 : vector<2000x128xf32>
    %get3A_30 = arith.constant 0 : index
    %get3A_31 = arith.constant 0 : index
    %get3A_32 = vector.load %arg6[%get3A_30, %get3A_31] : memref<1x128xf32, #tpu.memory_space<vmem>>, vector<1x128xf32>
    %add3A_33 = vector.broadcast %get3A_32 : vector<1x128xf32> to vector<2000x128xf32>
    %add3A_34 = arith.addf %dot_general3A_22, %add3A_33 : vector<2000x128xf32>
    %max3A_35 = arith.constant 0.000000e+00 : f32
    %max3A_36 = vector.broadcast %max3A_35 : f32 to vector<2000x128xf32>
    %max3A_37 = arith.maximumf %add3A_34, %max3A_36 : vector<2000x128xf32>
    %add3A_38 = arith.addf %max3A_29, %max3A_37 : vector<2000x128xf32>
    %get3A_39 = arith.constant 0 : index
    %get3A_40 = arith.constant 0 : index
    %get3A_41 = vector.load %arg7[%get3A_39, %get3A_40] : memref<128x1xf32, #tpu.memory_space<vmem>>, vector<128x1xf32>
    %dot_general3A_42 = arith.constant dense<0.000000e+00> : vector<2000x1xf32>
    %dot_general3A_43 = tpu.matmul %add3A_38, %get3A_41, %dot_general3A_42 {dimension_numbers = #tpu.dot_dimension_numbers<[1], [0], [0], [1], [0, 0, 1, 1], [], []>, transpose_lhs_hint = false} : vector<2000x128xf32>, vector<128x1xf32>, vector<2000x1xf32> -> vector<2000x1xf32>
    %get3A_44 = arith.constant 0 : index
    %get3A_45 = arith.constant 0 : index
    %get3A_46 = vector.load %arg8[%get3A_44, %get3A_45] : memref<1x1xf32, #tpu.memory_space<vmem>>, vector<1x1xf32>
    %get3A_47 = vector.extract %get3A_46[0, 0] : f32 from vector<1x1xf32>
    %add3A_48 = vector.broadcast %get3A_47 : f32 to vector<2000x1xf32>
    %add3A_49 = arith.addf %dot_general3A_43, %add3A_48 : vector<2000x1xf32>
    %logistic3A = arith.negf %add3A_49 : vector<2000x1xf32>
    %logistic3A_50 = math.exp %logistic3A : vector<2000x1xf32>
    %logistic3A_51 = arith.constant 1.000000e+00 : f32
    %logistic3A_52 = vector.broadcast %logistic3A_51 : f32 to vector<2000x1xf32>
    %logistic3A_53 = arith.addf %logistic3A_52, %logistic3A_50 : vector<2000x1xf32>
    %logistic3A_54 = arith.divf %logistic3A_52, %logistic3A_53 : vector<2000x1xf32>
    %mul3A = vector.broadcast %logistic3A_54 : vector<2000x1xf32> to vector<2000x128xf32>
    %mul3A_55 = arith.mulf %mul3A, %add3A_38 : vector<2000x128xf32>
    %get3A_56 = arith.constant 0 : index
    %get3A_57 = arith.constant 0 : index
    %get3A_58 = vector.load %arg9[%get3A_56, %get3A_57] : memref<2000x1xi32, #tpu.memory_space<vmem>>, vector<2000x1xi32>
    %iota3A = tpu.iota {dimensions = array<i32: 1>} : vector<1x128xi32>
    %eq3A_59 = vector.broadcast %get3A_58 : vector<2000x1xi32> to vector<2000x128xi32>
    %eq3A_60 = vector.broadcast %iota3A : vector<1x128xi32> to vector<2000x128xi32>
    %eq3A_61 = arith.cmpi eq, %eq3A_59, %eq3A_60 : vector<2000x128xi32>
    %convert_element_type3A_62 = arith.extui %eq3A_61 : vector<2000x128xi1> to vector<2000x128xi32>
    %convert_element_type3A_63 = arith.sitofp %convert_element_type3A_62 : vector<2000x128xi32> to vector<2000x128xf32>
    %get3A_64 = arith.constant 0 : index
    %get3A_65 = arith.constant 0 : index
    %get3A_66 = vector.load %arg17[%get3A_64, %get3A_65] : memref<128x128xf32, #tpu.memory_space<vmem>>, vector<128x128xf32>
    %dot_general3A_67 = arith.constant dense<0.000000e+00> : vector<128x128xf32>
    %dot_general3A_68 = tpu.matmul %convert_element_type3A_63, %mul3A_55, %dot_general3A_67 {dimension_numbers = #tpu.dot_dimension_numbers<[0], [0], [1], [1], [0, 1, 1, 1], [], []>, precision = #tpu.contract_precision<fp32>, transpose_lhs_hint = false} : vector<2000x128xf32>, vector<2000x128xf32>, vector<128x128xf32> -> vector<128x128xf32>
    %add3A_69 = arith.addf %get3A_66, %dot_general3A_68 : vector<128x128xf32>
    %swap3A = arith.constant 0 : index
    %swap3A_70 = arith.constant 0 : index
    %swap3A_71 = vector.load %arg17[%swap3A, %swap3A_70] : memref<128x128xf32, #tpu.memory_space<vmem>>, vector<128x128xf32>
    tpu.vector_store %arg17[%swap3A, %swap3A_70], %add3A_69 {strides = array<i32>} : memref<128x128xf32, #tpu.memory_space<vmem>>, vector<128x128xf32>,
    %slice3A = vector.extract_strided_slice %get3A_58 {offsets = [0, 0], sizes = [1, 1], strides = [1, 1]} : vector<2000x1xi32> to vector<1x1xi32>
    %squeeze3A = vector.extract %slice3A[0, 0] : i32 from vector<1x1xi32>
    %slice3A_72 = vector.extract_strided_slice %get3A_58 {offsets = [1999, 0], sizes = [1, 1], strides = [1, 1]} : vector<2000x1xi32> to vector<1x1xi32>
    %squeeze3A_73 = vector.extract %slice3A_72[0, 0] : i32 from vector<1x1xi32>
    %add3A_74 = arith.constant 1 : i32
    %add3A_75 = arith.addi %squeeze3A_73, %add3A_74 : i32
    %while3A = arith.constant 0 : i32
    %while3A_76 = arith.subi %add3A_75, %squeeze3A : i32
    %while3A_77 = arith.addi %squeeze3A, %while3A_76 : i32
    %while3A_78 = arith.constant 1 : i32
    %while3A_79 = arith.divsi %while3A_76, %while3A_78 : i32
    %while3A_80 = arith.muli %while3A_79, %while3A_78 : i32
    %while3A_81 = arith.addi %squeeze3A, %while3A_80 : i32
    %while3A_82 = arith.constant 1 : i32
    scf.for %while3A_89 = %squeeze3A to %while3A_81 step %while3A_82  : i32 {
      %eq3A_90 = vector.broadcast %while3A_89 : i32 to vector<2000x1xi32>
      %eq3A_91 = arith.cmpi eq, %get3A_58, %eq3A_90 : vector<2000x1xi32>
      %jit3A = arith.constant 0xFF800000 : f32
      %broadcast_in_dim3A = vector.shape_cast %eq3A_91 : vector<2000x1xi1> to vector<2000x1xi1>
      %broadcast_in_dim3A_92 = vector.broadcast %broadcast_in_dim3A : vector<2000x1xi1> to vector<2000x128xi1>
      %broadcast_in_dim3A_93 = vector.broadcast %jit3A : f32 to vector<2000x128xf32>
      %select_n3A = arith.select %broadcast_in_dim3A_92, %add3A_38, %broadcast_in_dim3A_93 : vector<2000x128xi1>, vector<2000x128xf32>
      %reduce_max3A = arith.constant dense<0xFF800000> : vector<128xf32>
      %reduce_max3A_94 = vector.multi_reduction <maximumf>, %select_n3A, %reduce_max3A [0] : vector<2000x128xf32> to vector<128xf32>
      %broadcast_in_dim3A_95 = vector.shape_cast %reduce_max3A_94 : vector<128xf32> to vector<1x128xf32>
      %get3A_96 = arith.index_cast %while3A_89 : i32 to index
      %get3A_97 = arith.constant 0 : index
      %get3A_98 = vector.load %arg18[%get3A_96, %get3A_97] : memref<128x128xf32, #tpu.memory_space<vmem>>, vector<1x128xf32>
      %max3A_99 = arith.maximumf %get3A_98, %broadcast_in_dim3A_95 : vector<1x128xf32>
      %swap3A_100 = arith.index_cast %while3A_89 : i32 to index
      %swap3A_101 = arith.constant 0 : index
      %swap3A_102 = vector.load %arg18[%swap3A_100, %swap3A_101] : memref<128x128xf32, #tpu.memory_space<vmem>>, vector<1x128xf32>
      tpu.vector_store %arg18[%swap3A_100, %swap3A_101], %max3A_99 {strides = array<i32>} : memref<128x128xf32, #tpu.memory_space<vmem>>, vector<1x128xf32>,
    }
    %while3A_83 = arith.constant 1 : i32
    scf.for %while3A_89 = %while3A_81 to %while3A_77 step %while3A_83  : i32 {
      %eq3A_90 = vector.broadcast %while3A_89 : i32 to vector<2000x1xi32>
      %eq3A_91 = arith.cmpi eq, %get3A_58, %eq3A_90 : vector<2000x1xi32>
      %jit3A = arith.constant 0xFF800000 : f32
      %broadcast_in_dim3A = vector.shape_cast %eq3A_91 : vector<2000x1xi1> to vector<2000x1xi1>
      %broadcast_in_dim3A_92 = vector.broadcast %broadcast_in_dim3A : vector<2000x1xi1> to vector<2000x128xi1>
      %broadcast_in_dim3A_93 = vector.broadcast %jit3A : f32 to vector<2000x128xf32>
      %select_n3A = arith.select %broadcast_in_dim3A_92, %add3A_38, %broadcast_in_dim3A_93 : vector<2000x128xi1>, vector<2000x128xf32>
      %reduce_max3A = arith.constant dense<0xFF800000> : vector<128xf32>
      %reduce_max3A_94 = vector.multi_reduction <maximumf>, %select_n3A, %reduce_max3A [0] : vector<2000x128xf32> to vector<128xf32>
      %broadcast_in_dim3A_95 = vector.shape_cast %reduce_max3A_94 : vector<128xf32> to vector<1x128xf32>
      %get3A_96 = arith.index_cast %while3A_89 : i32 to index
      %get3A_97 = arith.constant 0 : index
      %get3A_98 = vector.load %arg18[%get3A_96, %get3A_97] : memref<128x128xf32, #tpu.memory_space<vmem>>, vector<1x128xf32>
      %max3A_99 = arith.maximumf %get3A_98, %broadcast_in_dim3A_95 : vector<1x128xf32>
      %swap3A_100 = arith.index_cast %while3A_89 : i32 to index
      %swap3A_101 = arith.constant 0 : index
      %swap3A_102 = vector.load %arg18[%swap3A_100, %swap3A_101] : memref<128x128xf32, #tpu.memory_space<vmem>>, vector<1x128xf32>
      tpu.vector_store %arg18[%swap3A_100, %swap3A_101], %max3A_99 {strides = array<i32>} : memref<128x128xf32, #tpu.memory_space<vmem>>, vector<1x128xf32>,
    }
    %eq3A_84 = arith.constant 4 : i32
    %eq3A_85 = arith.cmpi eq, %arg0, %eq3A_84 : i32
    %convert_element_type3A_86 = arith.extui %eq3A_85 : i1 to i32
    %cond3A_87 = arith.constant 0 : i32
    %cond3A_88 = arith.cmpi ne, %convert_element_type3A_86, %cond3A_87 : i32
    scf.if %cond3A_88 {
      %get3A_89 = arith.constant 0 : index
      %get3A_90 = arith.constant 0 : index
      %get3A_91 = vector.load %arg17[%get3A_89, %get3A_90] : memref<128x128xf32, #tpu.memory_space<vmem>>, vector<128x128xf32>
      %get3A_92 = arith.constant 0 : index
      %get3A_93 = arith.constant 0 : index
      %get3A_94 = vector.load %arg18[%get3A_92, %get3A_93] : memref<128x128xf32, #tpu.memory_space<vmem>>, vector<128x128xf32>
      %concatenate3A = tpu.concatenate %get3A_91, %get3A_94 in 1 : vector<128x128xf32>, vector<128x128xf32> -> vector<128x256xf32>
      %get3A_95 = arith.constant 0 : index
      %get3A_96 = arith.constant 0 : index
      %get3A_97 = vector.load %arg10[%get3A_95, %get3A_96] : memref<256x128xf32, #tpu.memory_space<vmem>>, vector<256x128xf32>
      %dot_general3A_98 = arith.constant dense<0.000000e+00> : vector<128x128xf32>
      %dot_general3A_99 = tpu.matmul %concatenate3A, %get3A_97, %dot_general3A_98 {dimension_numbers = #tpu.dot_dimension_numbers<[1], [0], [0], [1], [0, 0, 1, 1], [], []>, transpose_lhs_hint = false} : vector<128x256xf32>, vector<256x128xf32>, vector<128x128xf32> -> vector<128x128xf32>
      %get3A_100 = arith.constant 0 : index
      %get3A_101 = arith.constant 0 : index
      %get3A_102 = vector.load %arg11[%get3A_100, %get3A_101] : memref<1x128xf32, #tpu.memory_space<vmem>>, vector<1x128xf32>
      %add3A_103 = vector.broadcast %get3A_102 : vector<1x128xf32> to vector<128x128xf32>
      %add3A_104 = arith.addf %dot_general3A_99, %add3A_103 : vector<128x128xf32>
      %max3A_105 = arith.constant 0.000000e+00 : f32
      %max3A_106 = vector.broadcast %max3A_105 : f32 to vector<128x128xf32>
      %max3A_107 = arith.maximumf %add3A_104, %max3A_106 : vector<128x128xf32>
      %reduce_sum3A = arith.constant dense<0.000000e+00> : vector<128xf32>
      %reduce_sum3A_108 = vector.multi_reduction <add>, %max3A_107, %reduce_sum3A [0] : vector<128x128xf32> to vector<128xf32>
      %broadcast_in_dim3A = vector.shape_cast %reduce_sum3A_108 : vector<128xf32> to vector<1x128xf32>
      %div3A = arith.constant 1.280000e+02 : f32
      %div3A_109 = vector.broadcast %div3A : f32 to vector<1x128xf32>
      %div3A_110 = arith.divf %broadcast_in_dim3A, %div3A_109 : vector<1x128xf32>
      %sub3A = vector.broadcast %div3A_110 : vector<1x128xf32> to vector<128x128xf32>
      %sub3A_111 = arith.subf %max3A_107, %sub3A : vector<128x128xf32>
      %sub3A_112 = vector.broadcast %div3A_110 : vector<1x128xf32> to vector<128x128xf32>
      %sub3A_113 = arith.subf %max3A_107, %sub3A_112 : vector<128x128xf32>
      %mul3A_114 = arith.mulf %sub3A_111, %sub3A_113 : vector<128x128xf32>
      %reduce_sum3A_115 = arith.constant dense<0.000000e+00> : vector<128xf32>
      %reduce_sum3A_116 = vector.multi_reduction <add>, %mul3A_114, %reduce_sum3A_115 [0] : vector<128x128xf32> to vector<128xf32>
      %broadcast_in_dim3A_117 = vector.shape_cast %reduce_sum3A_116 : vector<128xf32> to vector<1x128xf32>
      %div3A_118 = arith.constant 1.280000e+02 : f32
      %div3A_119 = vector.broadcast %div3A_118 : f32 to vector<1x128xf32>
      %div3A_120 = arith.divf %broadcast_in_dim3A_117, %div3A_119 : vector<1x128xf32>
      %sub3A_121 = vector.broadcast %div3A_110 : vector<1x128xf32> to vector<128x128xf32>
      %sub3A_122 = arith.subf %max3A_107, %sub3A_121 : vector<128x128xf32>
      %add3A_123 = arith.constant 9.99999974E-6 : f32
      %add3A_124 = vector.broadcast %add3A_123 : f32 to vector<1x128xf32>
      %add3A_125 = arith.addf %div3A_120, %add3A_124 : vector<1x128xf32>
      %sqrt3A = math.sqrt %add3A_125 : vector<1x128xf32>
      %div3A_126 = vector.broadcast %sqrt3A : vector<1x128xf32> to vector<128x128xf32>
      %div3A_127 = arith.divf %sub3A_122, %div3A_126 : vector<128x128xf32>
      %get3A_128 = arith.constant 0 : index
      %get3A_129 = arith.constant 0 : index
      %get3A_130 = vector.load %arg12[%get3A_128, %get3A_129] : memref<1x128xf32, #tpu.memory_space<vmem>>, vector<1x128xf32>
      %mul3A_131 = vector.broadcast %get3A_130 : vector<1x128xf32> to vector<128x128xf32>
      %mul3A_132 = arith.mulf %div3A_127, %mul3A_131 : vector<128x128xf32>
      %get3A_133 = arith.constant 0 : index
      %get3A_134 = arith.constant 0 : index
      %get3A_135 = vector.load %arg13[%get3A_133, %get3A_134] : memref<1x128xf32, #tpu.memory_space<vmem>>, vector<1x128xf32>
      %add3A_136 = vector.broadcast %get3A_135 : vector<1x128xf32> to vector<128x128xf32>
      %add3A_137 = arith.addf %mul3A_132, %add3A_136 : vector<128x128xf32>
      %get3A_138 = arith.constant 0 : index
      %get3A_139 = arith.constant 0 : index
      %get3A_140 = vector.load %arg14[%get3A_138, %get3A_139] : memref<128x1xf32, #tpu.memory_space<vmem>>, vector<128x1xf32>
      %dot_general3A_141 = arith.constant dense<0.000000e+00> : vector<128x1xf32>
      %dot_general3A_142 = tpu.matmul %add3A_137, %get3A_140, %dot_general3A_141 {dimension_numbers = #tpu.dot_dimension_numbers<[1], [0], [0], [1], [0, 0, 1, 1], [], []>, transpose_lhs_hint = false} : vector<128x128xf32>, vector<128x1xf32>, vector<128x1xf32> -> vector<128x1xf32>
      %get3A_143 = arith.constant 0 : index
      %get3A_144 = arith.constant 0 : index
      %get3A_145 = vector.load %arg15[%get3A_143, %get3A_144] : memref<1x1xf32, #tpu.memory_space<vmem>>, vector<1x1xf32>
      %add3A_146 = vector.broadcast %get3A_145 : vector<1x1xf32> to vector<128x1xf32>
      %add3A_147 = arith.addf %dot_general3A_142, %add3A_146 : vector<128x1xf32>
      %swap3A_148 = arith.constant 0 : index
      %swap3A_149 = arith.constant 0 : index
      %swap3A_150 = vector.load %arg16[%swap3A_148, %swap3A_149] : memref<128x1xf32, #tpu.memory_space<vmem>>, vector<128x1xf32>
      tpu.vector_store %arg16[%swap3A_148, %swap3A_149], %add3A_147 {strides = array<i32>} : memref<128x1xf32, #tpu.memory_space<vmem>>, vector<128x1xf32>,
    } else {
    }
    return
  }
  func.func @transform_0(%arg0: i32) -> (i32, i32, i32) {
    %c0_i32 = arith.constant 0 : i32
    %c0_i32_0 = arith.constant 0 : i32
    %c0_i32_1 = arith.constant 0 : i32
    return %c0_i32, %arg0, %c0_i32_0 : i32, i32, i32
  }
  func.func @transform_1(%arg0: i32) -> (i32, i32) {
    %c0_i32 = arith.constant 0 : i32
    %c0_i32_0 = arith.constant 0 : i32
    return %arg0, %c0_i32 : i32, i32
  }
  func.func @transform_2(%arg0: i32) -> (i32, i32) {
    %c0_i32 = arith.constant 0 : i32
    %c0_i32_0 = arith.constant 0 : i32
    %c0_i32_1 = arith.constant 0 : i32
    return %c0_i32, %c0_i32_0 : i32, i32
  }
  func.func @transform_3(%arg0: i32) -> (i32, i32) {
    %c0_i32 = arith.constant 0 : i32
    %c0_i32_0 = arith.constant 0 : i32
    %c0_i32_1 = arith.constant 0 : i32
    return %c0_i32, %c0_i32_0 : i32, i32
  }
  func.func @transform_4(%arg0: i32) -> (i32, i32) {
    %c0_i32 = arith.constant 0 : i32
    %c0_i32_0 = arith.constant 0 : i32
    %c0_i32_1 = arith.constant 0 : i32
    return %c0_i32, %c0_i32_0 : i32, i32
  }
  func.func @transform_5(%arg0: i32) -> (i32, i32) {
    %c0_i32 = arith.constant 0 : i32
    %c0_i32_0 = arith.constant 0 : i32
    %c0_i32_1 = arith.constant 0 : i32
    return %c0_i32, %c0_i32_0 : i32, i32
  }
  func.func @transform_6(%arg0: i32) -> (i32, i32) {
    %c0_i32 = arith.constant 0 : i32
    %c0_i32_0 = arith.constant 0 : i32
    %c0_i32_1 = arith.constant 0 : i32
    return %c0_i32, %c0_i32_0 : i32, i32
  }
  func.func @transform_7(%arg0: i32) -> (i32, i32) {
    %c0_i32 = arith.constant 0 : i32
    %c0_i32_0 = arith.constant 0 : i32
    %c0_i32_1 = arith.constant 0 : i32
    return %c0_i32, %c0_i32_0 : i32, i32
  }
  func.func @transform_8(%arg0: i32) -> (i32, i32) {
    %c0_i32 = arith.constant 0 : i32
    %c0_i32_0 = arith.constant 0 : i32
    return %arg0, %c0_i32 : i32, i32
  }
  func.func @transform_9(%arg0: i32) -> (i32, i32) {
    %c0_i32 = arith.constant 0 : i32
    %c0_i32_0 = arith.constant 0 : i32
    %c0_i32_1 = arith.constant 0 : i32
    return %c0_i32, %c0_i32_0 : i32, i32
  }
  func.func @transform_10(%arg0: i32) -> (i32, i32) {
    %c0_i32 = arith.constant 0 : i32
    %c0_i32_0 = arith.constant 0 : i32
    %c0_i32_1 = arith.constant 0 : i32
    return %c0_i32, %c0_i32_0 : i32, i32
  }
  func.func @transform_11(%arg0: i32) -> (i32, i32) {
    %c0_i32 = arith.constant 0 : i32
    %c0_i32_0 = arith.constant 0 : i32
    %c0_i32_1 = arith.constant 0 : i32
    return %c0_i32, %c0_i32_0 : i32, i32
  }
  func.func @transform_12(%arg0: i32) -> (i32, i32) {
    %c0_i32 = arith.constant 0 : i32
    %c0_i32_0 = arith.constant 0 : i32
    %c0_i32_1 = arith.constant 0 : i32
    return %c0_i32, %c0_i32_0 : i32, i32
  }
  func.func @transform_13(%arg0: i32) -> (i32, i32) {
    %c0_i32 = arith.constant 0 : i32
    %c0_i32_0 = arith.constant 0 : i32
    %c0_i32_1 = arith.constant 0 : i32
    return %c0_i32, %c0_i32_0 : i32, i32
  }
  func.func @transform_14(%arg0: i32) -> (i32, i32) {
    %c0_i32 = arith.constant 0 : i32
    %c0_i32_0 = arith.constant 0 : i32
    %c0_i32_1 = arith.constant 0 : i32
    return %c0_i32, %c0_i32_0 : i32, i32
  }
  func.func @transform_15(%arg0: i32) -> (i32, i32) {
    %c0_i32 = arith.constant 0 : i32
    %c0_i32_0 = arith.constant 0 : i32
    %c0_i32_1 = arith.constant 0 : i32
    return %c0_i32, %c0_i32_0 : i32, i32
  }
}

</mosaic_0001>

<sc_bundles>
// kernel: kernel.6.cloned.1.call-start
scs
__scs_entry_jumppad:
0x0: {  	(pc) =	sbr.rel $0x88, $3  }
0x1: {  	(tag) =	ssettag $0x0;
	lr =	simm.s32 $0x1  }
0x2: {  	[smem:$0x3F8E] =	sst lr;
	_ =	strace $0xD0000000  }
0x3: {  	_ = 	snop  }
0x4: {  	_ = 	snop  }
0x5: {  	_ = 	snop  }
0x6: {  	_ = 	snop  }
0x7: {  	_ = 	snop  }
__scs_overlays_trampoline_lowered:
0x8: {  	[smem:$0x3F9D] =	sst s0  }
0x9: {  	[smem:$0x3F9E] =	sst s1  }
0xa: {  	[smem:$0x3F9F] =	sst s2  }
0xb: {  	[smem:$0x3FA0] =	sst s3  }
0xc: {  	[smem:$0x3FA1] =	sst s4  }
0xd: {  	[smem:$0x3FA2] =	sst s5  }
0xe: {  	[smem:$0x3FA3] =	sst s6  }
0xf: {  	[smem:$0x3FA4] =	sst s7  }
0x10: {  	[smem:$0x3FA5] =	sst s8  }
0x11: {  	[smem:$0x3FA6] =	sst s9;
	s0 =	simm.s32 @!p0 $0x0  }
0x12: {  	s1 =	sld [smem:$0x3F8C];
	s0 =	simm.s32 @p0 $0x1  }
0x13: {  	[smem:$0x3FA7] =	sst s0;
	s0 =	simm.s32 @!p1 $0x0  }
0x14: {  	s2 =	sld [smem:$0x3F8B];
	s0 =	simm.s32 @p1 $0x1  }
0x15: {  	[smem:$0x3FA8] =	sst s0;
	s0 =	simm.s32 @!p2 $0x0  }
0x16: {  	s3 =	sld [smem:$0x3FDB];
	s0 =	simm.s32 @p2 $0x1  }
0x17: {  	s4 =	simm.s32 $0x1BF5;
	[smem:$0x3FAA] =	sst s0  }
0x18: {  	s0 =	sld [smem:$0x3F8D];
	_ =	swait.ge [sflag:s4], $0x0  }
0x19: {  	s7 =	sld [smem:$0x3F8E]  }
0x1a: {  	s8 =	sadd.s32 $0xFFFFE003, lr  }
0x1b: {  	s9 =	sadd.s32 $0xFFFFFEF7, lr;
	s5 =	simm.s32 $0xFFFFFFFF;
	p2 =	slt.u32 s8, $0xFFFFF086  }
0x1c: {  	p1 =	slt.u32 s9, $0xF7A;
	s5 =	simm.s32 @!p2 $0x0  }
0x1d: {  	s5 =	simm.s32 @p1 $0x1;
	p0 =	seq.s32 s7, s2  }
0x1e: {  	s7 =	smul.u32 @!p0 $0xF7A, s2;
	p2 =	seq.s32 @!p0 s5, $0x0  }
0x1f: {  	s9 =	smul.u32 $0xF7A, s1;
	s8 =	simm.s32 @!p0 $0x1BF5;
	p2 =	por !p2, p0  }
0x20: {  	[sflag:s8] =	ssyncset.s32 @!p0 $0xFFFFF086;
	s6 =	sadd.s32 @!p0 s3, s7;
	s7 =	simm.s32 @!p0 $0x108  }
0x21: {  	s3 =	sadd.s32 s3, s9;
	s6 =	sadd.s32 @!p0 $0x88, s6;
	s7 =	simm.s32 @p2 $0x1082  }
0x22: {  	[simem:s7], [sflag:s8] =	dma.local @!p0 [hbm:s6], $0xF7A  }
0x23: {  	s9 =	sor.u32 $0xD0000000, s2;
	s6 =	simm.s32 $0x108;
	_ =	swait.ge @!p0 [sflag:s8], $0x0  }
0x24: {  	s3 =	sadd.s32 $0x88, s3;
	s6 =	simm.s32 @!p1 $0x1082;
	[sflag:s4] =	ssyncset.s32 $0xFFFFF086  }
0x25: {  	[simem:s6], [sflag:s4] =	dma.local [hbm:s3], $0xF7A  }
0x26: {  	[smem:$0x3F8E] =	sst s1;
	(tag) =	ssettag s2;
	_ =	strace s9  }
0x27: {  	s1 =	sld [smem:$0x3F9E]  }
0x28: {  	s2 =	sld [smem:$0x3F9F]  }
0x29: {  	s4 =	sld [smem:$0x3FA1]  }
0x2a: {  	p0 =	seq.s32 s5, $0x0;
	s5 =	sld [smem:$0x3FA2]  }
0x2b: {  	s6 =	sld [smem:$0x3FA3]  }
0x2c: {  	s7 =	sld [smem:$0x3FA4]  }
0x2d: {  	s3 =	simm.s32 $0x108;
	s8 =	sld [smem:$0x3FA5]  }
0x2e: {  	s3 =	simm.s32 @!p0 $0x1082;
	s9 =	sld [smem:$0x3FA6]  }
0x2f: {  	lr =	sadd.s32 s0, s3;
	s0 =	sld [smem:$0x3F9D]  }
0x30: {  	s3 =	sld [smem:$0x3FA0]  }
0x31: {  	[smem:$0x3FA9] =	sst s10  }
0x32: {  	s10 =	sld [smem:$0x3FA7];
	_ =	sdelay $0x3  }
0x33: {  	p0 =	seq.s32 s10, $0x1;
	s10 =	sld [smem:$0x3FA9];
	_ =	sdelay $0x3  }
0x34: {  	[smem:$0x3FA9] =	sst s10  }
0x35: {  	s10 =	sld [smem:$0x3FA8];
	_ =	sdelay $0x3  }
0x36: {  	p1 =	seq.s32 s10, $0x1;
	s10 =	sld [smem:$0x3FA9];
	_ =	sdelay $0x3  }
0x37: {  	[smem:$0x3FA9] =	sst s10  }
0x38: {  	s10 =	sld [smem:$0x3FAA]  }
0x39: {  	_ = 	snop;
	(pc) =	sbr.ind lr, $3  }
0x3a: {  	_ = 	snop  }
0x3b: {  	_ = 	snop  }
0x3c: {  	p2 =	seq.s32 s10, $0x1;
	s10 =	sld [smem:$0x3FA9]  }
0x3d: {  	_ =	shalt  }
0x3e: {  	_ =	shalt  }
0x3f: {  	_ =	shalt  }
0x40: {  	_ =	shalt  }
0x41: {  	_ =	shalt  }
0x42: {  	_ =	shalt  }
0x43: {  	_ =	shalt  }
0x44: {  	_ =	shalt  }
0x45: {  	_ =	shalt  }
0x46: {  	_ =	shalt  }
0x47: {  	_ =	shalt  }
0x48: {  	_ =	shalt  }
0x49: {  	_ =	shalt  }
0x4a: {  	_ =	shalt  }
0x4b: {  	_ =	shalt  }
0x4c: {  	_ =	shalt  }
0x4d: {  	_ =	shalt  }
0x4e: {  	_ =	shalt  }
0x4f: {  	_ =	shalt  }
0x50: {  	_ =	shalt  }
0x51: {  	_ =	shalt  }
0x52: {  	_ =	shalt  }
0x53: {  	_ =	shalt  }
0x54: {  	_ =	shalt  }
0x55: {  	_ =	shalt  }
0x56: {  	_ =	shalt  }
0x57: {  	_ =	shalt  }
0x58: {  	_ =	shalt  }
0x59: {  	_ =	shalt  }
0x5a: {  	_ =	shalt  }
0x5b: {  	_ =	shalt  }
0x5c: {  	_ =	shalt  }
0x5d: {  	_ =	shalt  }
0x5e: {  	_ =	shalt  }
0x5f: {  	_ =	shalt  }
0x60: {  	_ =	shalt  }
0x61: {  	_ =	shalt  }
0x62: {  	_ =	shalt  }
0x63: {  	_ =	shalt  }
0x64: {  	_ =	shalt  }
0x65: {  	_ =	shalt  }
0x66: {  	_ =	shalt  }
0x67: {  	_ =	shalt  }
0x68: {  	_ =	shalt  }
0x69: {  	_ =	shalt  }
0x6a: {  	_ =	shalt  }
0x6b: {  	_ =	shalt  }
0x6c: {  	_ =	shalt  }
0x6d: {  	_ =	shalt  }
0x6e: {  	_ =	shalt  }
0x6f: {  	_ =	shalt  }
0x70: {  	_ =	shalt  }
0x71: {  	_ =	shalt  }
0x72: {  	_ =	shalt  }
0x73: {  	_ =	shalt  }
0x74: {  	_ =	shalt  }
0x75: {  	_ =	shalt  }
0x76: {  	_ =	shalt  }
0x77: {  	_ =	shalt  }
0x78: {  	_ =	shalt  }
0x79: {  	_ =	shalt  }
0x7a: {  	_ =	shalt  }
0x7b: {  	_ =	shalt  }
0x7c: {  	_ =	shalt  }
0x7d: {  	_ =	shalt  }
0x7e: {  	_ =	shalt  }
0x7f: {  	_ =	shalt  }
0x80: {  	_ =	shalt  }
0x81: {  	_ =	shalt  }
0x82: {  	_ =	shalt  }
0x83: {  	_ =	shalt  }
0x84: {  	_ =	shalt  }
0x85: {  	_ =	shalt  }
0x86: {  	_ =	shalt  }
0x87: {  	_ =	shalt  }
.Lfunc_end0:
.L_simem_size_0:
called_computation_lowered:
.L_overlay_start_0:
0x88: {  	s2 =	sld [smem:$0x3FD9]  }
0x89: {  	s3 =	sld [smem:$0x3FFE];
	_ =	sdelay $0x1  }
0x8a: {  	s1 =	srdreg.scid  }
0x8b: {  	s0 =	sand.u32 $0x1, s1  }
0x8c: {  	s17 =	sshll.u32 s0, $0xA;
	s2 =	sadd.s32 s3, s2  }
0x8d: {  	s2 =	sadd.s32 s2, s17  }
0x8e: {  	[smem:$0x3FB5] =	sst s2  }
0x8f: {  	_ = 	snop  }
0x90: {  	s2 =	sld [smem:$0x3FC9];
	(tm) =	ssettm $0x1  }
0x91: {  	s18 =	sld [smem:$0x3FFB];
	_ =	sdelay $0x3  }
0x92: {  	_ =	strace s18  }
0x93: {  	s3 =	sld [smem:$0x3FFC];
	_ =	sdelay $0x3  }
0x94: {  	_ =	strace s3  }
0x95: {  	s3 =	sld [smem:$0x3FFD];
	_ =	sdelay $0x3  }
0x96: {  	_ =	strace s3  }
0x97: {  	_ =	strace $0x8FFFFFFF  }
0x98: {  	s19 =	sld [smem:$0x3FDB];
	_ =	sdelay $0x1  }
0x99: {  	s4 =	simm.s32 $_scs_section_size  }
0x9a: {  	s5 =	simm.s32 $_size__tile_overlayer_lowered;
	s6 =	simm.s32 $_tile_overlayer_lowered  }
0x9b: {  	s22 =	simm.s32 $0x1BFF;
	s21 =	sshll.u32 s6, $0x1;
	s3 =	sadd.s32 s4, s19  }
0x9c: {  	s7 =	simm.s32 $0x0;
	s20 =	sshll.u32 s5, $0x1;
	s5 =	sadd.s32 s21, s3  }
0x9d: {  	[timem:s7], [sflag:s22] =	dma.local [hbm:s5], s20  }
0x9e: {  	_ =	swait.ge [sflag:s22], s20  }
0x9f: {  	s4 =	ssub.s32 $0x0, s20;
	[sflag:s22] =	ssyncset.done $0x0  }
0xa0: {  	[sflag:s22] =	ssyncadd.s32 s4;
	_ =	sdelay $0x1  }
0xa1: {  	s23 =	simm.s32 $0x1B8B  }
0xa2: {  	_ =	swait.ge [sflag:s23], $0x1  }
0xa3: {  	[sflag:s23] =	ssyncset.done $0x0  }
0xa4: {  	s25 =	simm.s32 $0x1B8E;
	s24 =	sld [smem:$0x3FFE];
	[sflag:s23] =	ssyncadd.s32 $0xFFFFFFFF  }
0xa5: {  	s26 =	simm.s32 $execute0_lowered;
	[smem:$0x3FD2] =	sst s25  }
0xa6: {  	s5 =	sshll.u32 s26, $0x1;
	_ =	strace $0x80000046;
	[dreg:$0x1] =	wrdreg $0xFFFFFFFF  }
0xa7: {  	s28 =	simm.s32 $_size_execute0_lowered;
	s3 =	sadd.s32 s3, s5;
	[dreg:$0x0] =	wrdreg $0x0  }
0xa8: {  	s5 =	sshll.u32 s28, $0x1;
	[dreg:$0x2] =	wrdreg s3  }
0xa9: {  	[dreg:$0x3] =	wrdreg s5  }
0xaa: {  	[dreg:$0x4] =	wrdreg $0xC0  }
0xab: {  	_ =	task [dreg:s7], $0x5FFFF  }
0xac: {  	[dreg:$0x1] =	wrdreg $0xFFFFFFFF  }
0xad: {  	[dreg:$0x0] =	wrdreg $0x60  }
0xae: {  	[dreg:$0x2] =	wrdreg s2  }
0xaf: {  	[dreg:$0x3] =	wrdreg s24  }
0xb0: {  	[dreg:$0x4] =	wrdreg $0x90000  }
0xb1: {  	[dreg:$0x5] =	wrdreg $0x9  }
0xb2: {  	_ =	task.clear_ibuf [dreg:s7], $0x6FFFF;
	_ =	strace $0x90000046  }
0xb3: {  	s29 =	simm.s32 $0x9;
	_ =	strace $0x80000048  }
0xb4: {  	_ =	swait.ge [sflag:s29], $0x1  }
0xb5: {  	[sflag:s29] =	ssyncadd.s32 $0xFFFFFFFF  }
0xb6: {  	_ =	strace $0x90000048  }
0xb7: {  	_ =	sfence  }
0xb8: {  	s30 =	sld [smem:$0x0];
	_ =	sdelay $0x2  }
0xb9: {  	s31 =	sshll.u32 s1, $0xD;
	s1 =	sshrl.u32 s1, $0x2  }
0xba: {  	s3 =	sand.u32 $0x4000, s31;
	s1 =	sadd.s32 s1, s30  }
0xbb: {  	s0 =	sor.u32 s3, s0;
	s1 =	sshll.u32 s1, $0x11  }
0xbc: {  	s0 =	sor.u32 s1, s0  }
0xbd: {  	s0 =	sadd.s32 $0x8F2B, s0  }
0xbe: {  	[sflag:s0] =	ssyncadd.remote.s32 $0x1  }
0xbf: {  	_ =	sfence.sel $0xFFFF  }
0xc0: {  	[dreg:$0x0] =	wrdreg $0xFFFFFFFF;
	(pc) =	sbr.abs _section_cstart, $3  }
0xc1: {  	[dreg:$0x1] =	wrdreg $0xFFFFFFFF  }
0xc2: {  	_ =	task.clear_ibuf [dreg:s7], $0x2FFFF;
	_ =	strace $0x9FFFFFFF  }
0xc3: {  	(tm) =	ssettm $0x7FFFFFFF  }
tec
execute0_lowered:
.L_overlay_start_1:
0x0: {  	(tag) =	ssettag $0x1  }
0x1: {  	s1 =	srdreg.scid;
	s0 =	rddreg [dreg:$0x0]  }
0x2: {  	s6 =	rddreg [dreg:$0x1];
	s2 =	stileid.u32  }
0x3: {  	s3 =	rddreg [dreg:$0x2];
	s4 =	simm.s32 $0x0;
	s13 =	simm.s32 $0x2  }
0x4: {  	s14 =	simm.s32 $0x7D;
	s15 =	simm.s32 $0x5000;
	s16 =	simm.s32 $0x3  }
0x5: {  	s19 =	simm.s32 $0x0;
	s5 =	sand.u32 $0x1, s1;
	s9 =	smul.u32 $0x13800, s2  }
0x6: {  	[smem:$0x7FF] =	sst s4;
	s10 =	sadd.s32 $0x16E00, s6;
	s12 =	smul.u32 $0x4E000, s2  }
0x7: {  	s30 =	smul.u32 $0x5000, s2;
	s18 =	sadd.s32 $0x138000, s3;
	p0 =	sne.s32 s2, $0x0  }
0x8: {  	s1 =	sshll.u32 s5, $0x4;
	s8 =	smul.u32 $0x138800, s5;
	s5 =	ssub.s32 $0x2, s5  }
0x9: {  	s18 =	sshrl.u32 @!p0 s18, $0x3;
	s7 =	sor.u32 s2, s1;
	s1 =	rddreg [dreg:$0x3]  }
0xa: {  	_ =	strace $0x80000047;
	s26 =	sshrl.u32 s5, $0x1;
	s29 =	sshrl.u32 s12, $0x2  }
0xb: {  	s31 =	sshrl.u32 s30, $0x2;
	s12 =	simm.s32 $0x1;
	s7 =	smul.u32 $0x500, s7  }
0xc: {  	s11 =	ssub.s32 s5, s26;
	s9 =	sadd.s32 s9, s8;
	s8 =	sshrl.u32 s8, $0x3  }
0xd: {  	s17 =	sadd.s32 s29, s3;
	s28 =	sshrl.u32 s9, $0x3;
	s8 =	sadd.s32 s10, s8  }
0xe: {  	s9 =	smax.u32 s11, $0x1;
	s11 =	simm.s32 $0x2800;
	s7 =	sadd.s32 s7, s6  }
0xf: {  	s17 =	sshrl.u32 s17, $0x3;
	s8 =	sadd.s32 $0x27000, s8;
	s5 =	sadd.s32 $0x2E00, s7  }
0x10: {  	v0 =	vimm.f32 $0.0e+00;
	s6 =	sadd.s32 $0xCE00, s7;
	s7 =	sadd.s32 s10, s28;
	s10 =	sadd.s32 s31, s3  }
.LBB2_1:
0x11: {  	[tilespmem:s4], [sflag:$0x1] =	stream.linear.gather [hbm4b:s5+s4], $0x2800, $0x38;
	[tilespmem:$0x1C880] =	vst v63  }
0x12: {  	s20 =	simm.s32 $0x70;
	s21 =	simm.s32 $0x3C0  }
0x13: {  	[tilespmem:s11], [sflag:$0x2] =	stream.linear.gather [hbm4b:s6+s4], $0x2800, $0x38;
	[tilespmem:$0x1C880] =	vst v63  }
.LBB2_2:
0x14: {  	p1 =	sne.s32 s21, $0xF9C0;
	[tilespmem:s20+$0x5000] =	vst v0  }
0x15: {  	[tilespmem:s20+$0x4F90] =	vst v0  }
0x16: {  	[tilespmem:s20+$0x4FA0] =	vst v0  }
.Ltmp0:
0x17: {  	[tilespmem:s20+$0x4FB0] =	vst v0;
	(pc) =	sbr.rel @p1 .LBB2_2-.Ltmp0, $4  }
0x18: {  	[tilespmem:s20+$0x4FC0] =	vst v0  }
0x19: {  	[tilespmem:s20+$0x4FD0] =	vst v0  }
0x1a: {  	[tilespmem:s20+$0x4FE0] =	vst v0  }
0x1b: {  	[tilespmem:s20+$0x4FF0] =	vst v0;
	s20 =	sshra.s32 s21, $0x2;
	s21 =	sadd.s32 $0x200, s21  }
0x1c: {  	[tilespmem:s20+$0x5000] =	vst v0  }
0x1d: {  	[tilespmem:s20+$0x4F90] =	vst v0  }
0x1e: {  	[tilespmem:s20+$0x4FA0] =	vst v0  }
0x1f: {  	[tilespmem:s20+$0x4FB0] =	vst v0  }
0x20: {  	[tilespmem:s20+$0x4FC0] =	vst v0  }
0x21: {  	[tilespmem:s20+$0x4FD0] =	vst v0;
	s21 =	sadd.s32 $0x0, s2  }
0x22: {  	[tilespmem:s20+$0x4FE0] =	vst v0;
	p1 =	sgt.u32 s21, $0xF9  }
0x23: {  	[tilespmem:s20+$0x4FF0] =	vst v0;
	s20 =	simm.s32 @!p1 $0x5000;
	s23 =	simm.s32 @!p1 $0x3  }
0x24: {  	[spmem:s10] =	stream.linear.scatter @!p1 [tilespmem:s20], [sflag:$0x3], $0x1400, $0x38;
	[tilespmem:$0x1C880] =	vst v63  }
0x25: {  	s22 =	simm.s32 $0x20;
	_ =	swait.ge @!p1 [sflag:s23], $0x1400  }
0x26: {  	s21 =	simm.s32 $0x10;
	s20 =	sadd.s32 $0x14000, s10;
	[sflag:s23] =	ssyncset.done @!p1 $0x0  }
.LBB2_4:
0x27: {  	s24 =	sadd.s32 s21, s2;
	s21 =	smov.u32 s22;
	s22 =	sadd.s32 $0x10, s22  }
0x28: {  	[sflag:s23] =	ssyncadd.s32 @!p1 $0xFFFFEC00;
	p2 =	sne.s32 s22, $0x100  }
.Ltmp1:
0x29: {  	p1 =	sgt.u32 s24, $0xF9;
	(pc) =	sbr.rel @p2 .LBB2_4-.Ltmp1, $4  }
0x2a: {  	s24 =	simm.s32 @!p1 $0x5000;
	s23 =	simm.s32 @!p1 $0x3  }
0x2b: {  	[spmem:s20] =	stream.linear.scatter @!p1 [tilespmem:s24], [sflag:$0x3], $0x1400, $0x38;
	[tilespmem:$0x1C880] =	vst v63  }
0x2c: {  	_ =	swait.ge @!p1 [sflag:s23], $0x1400  }
0x2d: {  	s20 =	sadd.s32 $0x14000, s20;
	[sflag:s23] =	ssyncset.done @!p1 $0x0  }
0x2e: {  	s21 =	sadd.s32 s21, s2  }
0x2f: {  	p2 =	sgt.u32 s21, $0xF9  }
0x30: {  	[sflag:s23] =	ssyncadd.s32 @!p1 $0xFFFFEC00;
	s21 =	simm.s32 @!p2 $0x5000;
	s22 =	simm.s32 @!p2 $0x3  }
0x31: {  	[spmem:s20] =	stream.linear.scatter @!p2 [tilespmem:s21], [sflag:$0x3], $0x1400, $0x38;
	[tilespmem:$0x1C880] =	vst v63  }
0x32: {  	_ =	swait.ge @!p2 [sflag:s22], $0x1400  }
0x33: {  	[sflag:s22] =	ssyncset.done @!p2 $0x0  }
0x34: {  	[sflag:s22] =	ssyncadd.s32 @!p2 $0xFFFFEC00  }
0x35: {  	_ =	swait.ge [sflag:s12], $0x2800  }
0x36: {  	[sflag:s12] =	ssyncset.done $0x0  }
0x37: {  	[sflag:s12] =	ssyncadd.s32 $0xFFFFD800  }
0x38: {  	_ =	swait.ge [sflag:s13], $0x2800  }
0x39: {  	[sflag:s13] =	ssyncset.done $0x0  }
0x3a: {  	[sflag:s13] =	ssyncadd.s32 $0xFFFFD800  }
0x3b: {  	s30 =	simm.s32 $0x0;
	[bflag:$0x0] =	sbarrier.arrive $0xFFFF  }
0x3c: {  	[tilespmem:s15], [sflag:$0x1] =	stream.indirect.gather [hbm4b:s0+s14], $0x80, s30, s14, $0xb8;
	[tilespmem:$0x1C880] =	vst v63  }
0x3d: {  	_ =	swait.ge [sflag:s12], $0x3E80  }
0x3e: {  	[sflag:s12] =	ssyncset.done $0x0  }
0x3f: {  	s31 =	simm.s32 $0x2800;
	[sflag:s12] =	ssyncadd.s32 $0xFFFFC180  }
0x40: {  	[spmem:s3] =	stream.indirect.scatter.add.f32 [tilespmem:s15], [sflag:$0x3], $0x80, s31, s14, $0xb8;
	[tilespmem:$0x1C880] =	vst v63  }
0x41: {  	_ =	swait.ge [sflag:s16], $0x3E80  }
0x42: {  	s20 =	simm.s32 $0x200;
	s21 =	simm.s32 $0x400;
	[sflag:s16] =	ssyncset.done $0x0  }
.LBB2_6:
0x43: {  	s22 =	sshra.s32 s20, $0x2  }
0x44: {  	[sflag:s16] =	ssyncadd.s32 $0xFFFFC180;
	s20 =	smov.u32 s21;
	s23 =	sadd.s32 $0x200, s21  }
0x45: {  	[tilespmem:s15], [sflag:$0x1] =	stream.indirect.gather [hbm4b:s0+s14], $0x80, s22, s14, $0xb8;
	[tilespmem:$0x1C880] =	vst v63  }
0x46: {  	p1 =	sne.s32 s21, $0x9E00;
	_ =	swait.ge [sflag:s12], $0x3E80  }
.Ltmp2:
0x47: {  	[sflag:s12] =	ssyncset.done $0x0;
	(pc) =	sbr.rel @p1 .LBB2_6-.Ltmp2, $4  }
0x48: {  	s21 =	sadd.s32 $0x2800, s22;
	[sflag:s12] =	ssyncadd.s32 $0xFFFFC180  }
0x49: {  	[spmem:s3] =	stream.indirect.scatter.add.f32 [tilespmem:s15], [sflag:$0x3], $0x80, s21, s14, $0xb8;
	[tilespmem:$0x1C880] =	vst v63  }
0x4a: {  	_ =	swait.ge [sflag:s16], $0x3E80  }
0x4b: {  	s21 =	smov.u32 s23;
	[sflag:s16] =	ssyncset.done $0x0  }
0x4c: {  	s20 =	sshra.s32 s20, $0x2;
	[sflag:s16] =	ssyncadd.s32 $0xFFFFC180  }
0x4d: {  	[tilespmem:s15], [sflag:$0x1] =	stream.indirect.gather [hbm4b:s0+s14], $0x80, s20, s14, $0xb8;
	[tilespmem:$0x1C880] =	vst v63  }
0x4e: {  	_ =	swait.ge [sflag:s12], $0x3E80  }
0x4f: {  	[sflag:s12] =	ssyncset.done $0x0  }
0x50: {  	s20 =	sadd.s32 $0x2800, s20;
	[sflag:s12] =	ssyncadd.s32 $0xFFFFC180  }
0x51: {  	[spmem:s3] =	stream.indirect.scatter.add.f32 [tilespmem:s15], [sflag:$0x3], $0x80, s20, s14, $0xb8;
	[tilespmem:$0x1C880] =	vst v63  }
0x52: {  	_ =	swait.ge [sflag:s16], $0x3E80  }
0x53: {  	[sflag:s16] =	ssyncset.done $0x0  }
0x54: {  	s31 =	sshll.u32 s2, $0x6;
	[sflag:s16] =	ssyncadd.s32 $0xFFFFC180  }
0x55: {  	s20 =	sor.u32 $0x1C03, s31;
	[bflag:$0x0] =	sbarrier.arrive $0xFFFF  }
0x56: {  	[hbm:s7], [sflag:s20] =	dma.local [spmem:s17], $0x2700  }
0x57: {  	_ =	swait.ge [sflag:s16], $0x2700  }
0x58: {  	s19 =	sadd.s32 $0x1, s19;
	[sflag:s16] =	ssyncset.done $0x0  }
0x59: {  	p1 =	sne.s32 s19, s9;
	[sflag:s16] =	ssyncadd.s32 $0xFFFFD900  }
0x5a: {  	[hbm:s8], [sflag:s20] =	dma.local @!p0 [spmem:s18], $0x100  }
.Ltmp3:
0x5b: {  	_ = 	snop;
	(pc) =	sbr.rel @p1 .LBB2_1-.Ltmp3, $4  }
0x5c: {  	s20 =	simm.s32 @!p0 $0x3  }
0x5d: {  	_ =	swait.ge @!p0 [sflag:s20], $0x100  }
0x5e: {  	[sflag:s20] =	ssyncset.done @!p0 $0x0  }
0x5f: {  	[sflag:s20] =	ssyncadd.s32 @!p0 $0xFFFFFF00  }
0x60: {  	_ =	sfence.sel $0x180000  }
0x61: {  	[bflag:$0x0] =	sbarrier.arrive $0xFFFF  }
0x62: {  	_ =	strace $0x90000047  }
0x63: {  	s0 =	sadd.s32 @!p0 $0x100000, s1;
	[bflag:$0x2] =	sbarrier.arrive $0xFFFF  }
0x64: {  	[sflag:s0] =	ssyncadd.tile.s32 @!p0 $0x1;
	_ =	shalt  }
.Lfunc_end2:
_tile_overlayer_lowered:
.L_overlay_start_2:
0x65: {  	(tag) =	ssettag $0x2  }
0x66: {  	s0 =	rddreg [dreg:$0x0];
	s2 =	stileid.u32  }
0x67: {  	s1 =	rddreg [dreg:$0x1];
	p0 =	sne.s32 s2, $0x0  }
0x68: {  	s3 =	rddreg [dreg:$0x2];
	[bflag:$0x3] =	sbarrier.arrive $0xFFFF;
	s2 =	simm.s32 @!p0 $0x1C03  }
0x69: {  	[timem:s3], [sflag:s2] =	dma.local @!p0 [hbm:s0], s1  }
0x6a: {  	s0 =	simm.s32 @!p0 $0x3  }
0x6b: {  	_ =	swait.ge @!p0 [sflag:s0], s1  }
0x6c: {  	s1 =	ssub.s32 @!p0 $0x0, s1;
	[sflag:s0] =	ssyncset.done @!p0 $0x0  }
0x6d: {  	[sflag:s0] =	ssyncadd.s32 @!p0 s1  }
0x6e: {  	[bflag:$0x3] =	sbarrier.arrive $0xFFFF  }
0x6f: {  	_ =	shalt  }

// kernel: kernel.9.cloned.1.call-start
scs
__scs_entry_jumppad:
0x0: {  	(pc) =	sbr.rel $0x88, $3  }
0x1: {  	(tag) =	ssettag $0x0;
	lr =	simm.s32 $0x1  }
0x2: {  	[smem:$0x3F8E] =	sst lr;
	_ =	strace $0xD0000000  }
0x3: {  	_ = 	snop  }
0x4: {  	_ = 	snop  }
0x5: {  	_ = 	snop  }
0x6: {  	_ = 	snop  }
0x7: {  	_ = 	snop  }
__scs_overlays_trampoline_lowered:
0x8: {  	[smem:$0x3F9D] =	sst s0  }
0x9: {  	[smem:$0x3F9E] =	sst s1  }
0xa: {  	[smem:$0x3F9F] =	sst s2  }
0xb: {  	[smem:$0x3FA0] =	sst s3  }
0xc: {  	[smem:$0x3FA1] =	sst s4  }
0xd: {  	[smem:$0x3FA2] =	sst s5  }
0xe: {  	[smem:$0x3FA3] =	sst s6  }
0xf: {  	[smem:$0x3FA4] =	sst s7  }
0x10: {  	[smem:$0x3FA5] =	sst s8  }
0x11: {  	[smem:$0x3FA6] =	sst s9;
	s0 =	simm.s32 @!p0 $0x0  }
0x12: {  	s1 =	sld [smem:$0x3F8C];
	s0 =	simm.s32 @p0 $0x1  }
0x13: {  	[smem:$0x3FA7] =	sst s0;
	s0 =	simm.s32 @!p1 $0x0  }
0x14: {  	s2 =	sld [smem:$0x3F8B];
	s0 =	simm.s32 @p1 $0x1  }
0x15: {  	[smem:$0x3FA8] =	sst s0;
	s0 =	simm.s32 @!p2 $0x0  }
0x16: {  	s3 =	sld [smem:$0x3FDB];
	s0 =	simm.s32 @p2 $0x1  }
0x17: {  	s4 =	simm.s32 $0x1BF5;
	[smem:$0x3FAA] =	sst s0  }
0x18: {  	s0 =	sld [smem:$0x3F8D];
	_ =	swait.ge [sflag:s4], $0x0  }
0x19: {  	s7 =	sld [smem:$0x3F8E]  }
0x1a: {  	s8 =	sadd.s32 $0xFFFFE003, lr  }
0x1b: {  	s9 =	sadd.s32 $0xFFFFFEF7, lr;
	s5 =	simm.s32 $0xFFFFFFFF;
	p2 =	slt.u32 s8, $0xFFFFF086  }
0x1c: {  	p1 =	slt.u32 s9, $0xF7A;
	s5 =	simm.s32 @!p2 $0x0  }
0x1d: {  	s5 =	simm.s32 @p1 $0x1;
	p0 =	seq.s32 s7, s2  }
0x1e: {  	s7 =	smul.u32 @!p0 $0xF7A, s2;
	p2 =	seq.s32 @!p0 s5, $0x0  }
0x1f: {  	s9 =	smul.u32 $0xF7A, s1;
	s8 =	simm.s32 @!p0 $0x1BF5;
	p2 =	por !p2, p0  }
0x20: {  	[sflag:s8] =	ssyncset.s32 @!p0 $0xFFFFF086;
	s6 =	sadd.s32 @!p0 s3, s7;
	s7 =	simm.s32 @!p0 $0x108  }
0x21: {  	s3 =	sadd.s32 s3, s9;
	s6 =	sadd.s32 @!p0 $0x88, s6;
	s7 =	simm.s32 @p2 $0x1082  }
0x22: {  	[simem:s7], [sflag:s8] =	dma.local @!p0 [hbm:s6], $0xF7A  }
0x23: {  	s9 =	sor.u32 $0xD0000000, s2;
	s6 =	simm.s32 $0x108;
	_ =	swait.ge @!p0 [sflag:s8], $0x0  }
0x24: {  	s3 =	sadd.s32 $0x88, s3;
	s6 =	simm.s32 @!p1 $0x1082;
	[sflag:s4] =	ssyncset.s32 $0xFFFFF086  }
0x25: {  	[simem:s6], [sflag:s4] =	dma.local [hbm:s3], $0xF7A  }
0x26: {  	[smem:$0x3F8E] =	sst s1;
	(tag) =	ssettag s2;
	_ =	strace s9  }
0x27: {  	s1 =	sld [smem:$0x3F9E]  }
0x28: {  	s2 =	sld [smem:$0x3F9F]  }
0x29: {  	s4 =	sld [smem:$0x3FA1]  }
0x2a: {  	p0 =	seq.s32 s5, $0x0;
	s5 =	sld [smem:$0x3FA2]  }
0x2b: {  	s6 =	sld [smem:$0x3FA3]  }
0x2c: {  	s7 =	sld [smem:$0x3FA4]  }
0x2d: {  	s3 =	simm.s32 $0x108;
	s8 =	sld [smem:$0x3FA5]  }
0x2e: {  	s3 =	simm.s32 @!p0 $0x1082;
	s9 =	sld [smem:$0x3FA6]  }
0x2f: {  	lr =	sadd.s32 s0, s3;
	s0 =	sld [smem:$0x3F9D]  }
0x30: {  	s3 =	sld [smem:$0x3FA0]  }
0x31: {  	[smem:$0x3FA9] =	sst s10  }
0x32: {  	s10 =	sld [smem:$0x3FA7];
	_ =	sdelay $0x3  }
0x33: {  	p0 =	seq.s32 s10, $0x1;
	s10 =	sld [smem:$0x3FA9];
	_ =	sdelay $0x3  }
0x34: {  	[smem:$0x3FA9] =	sst s10  }
0x35: {  	s10 =	sld [smem:$0x3FA8];
	_ =	sdelay $0x3  }
0x36: {  	p1 =	seq.s32 s10, $0x1;
	s10 =	sld [smem:$0x3FA9];
	_ =	sdelay $0x3  }
0x37: {  	[smem:$0x3FA9] =	sst s10  }
0x38: {  	s10 =	sld [smem:$0x3FAA]  }
0x39: {  	_ = 	snop;
	(pc) =	sbr.ind lr, $3  }
0x3a: {  	_ = 	snop  }
0x3b: {  	_ = 	snop  }
0x3c: {  	p2 =	seq.s32 s10, $0x1;
	s10 =	sld [smem:$0x3FA9]  }
0x3d: {  	_ =	shalt  }
0x3e: {  	_ =	shalt  }
0x3f: {  	_ =	shalt  }
0x40: {  	_ =	shalt  }
0x41: {  	_ =	shalt  }
0x42: {  	_ =	shalt  }
0x43: {  	_ =	shalt  }
0x44: {  	_ =	shalt  }
0x45: {  	_ =	shalt  }
0x46: {  	_ =	shalt  }
0x47: {  	_ =	shalt  }
0x48: {  	_ =	shalt  }
0x49: {  	_ =	shalt  }
0x4a: {  	_ =	shalt  }
0x4b: {  	_ =	shalt  }
0x4c: {  	_ =	shalt  }
0x4d: {  	_ =	shalt  }
0x4e: {  	_ =	shalt  }
0x4f: {  	_ =	shalt  }
0x50: {  	_ =	shalt  }
0x51: {  	_ =	shalt  }
0x52: {  	_ =	shalt  }
0x53: {  	_ =	shalt  }
0x54: {  	_ =	shalt  }
0x55: {  	_ =	shalt  }
0x56: {  	_ =	shalt  }
0x57: {  	_ =	shalt  }
0x58: {  	_ =	shalt  }
0x59: {  	_ =	shalt  }
0x5a: {  	_ =	shalt  }
0x5b: {  	_ =	shalt  }
0x5c: {  	_ =	shalt  }
0x5d: {  	_ =	shalt  }
0x5e: {  	_ =	shalt  }
0x5f: {  	_ =	shalt  }
0x60: {  	_ =	shalt  }
0x61: {  	_ =	shalt  }
0x62: {  	_ =	shalt  }
0x63: {  	_ =	shalt  }
0x64: {  	_ =	shalt  }
0x65: {  	_ =	shalt  }
0x66: {  	_ =	shalt  }
0x67: {  	_ =	shalt  }
0x68: {  	_ =	shalt  }
0x69: {  	_ =	shalt  }
0x6a: {  	_ =	shalt  }
0x6b: {  	_ =	shalt  }
0x6c: {  	_ =	shalt  }
0x6d: {  	_ =	shalt  }
0x6e: {  	_ =	shalt  }
0x6f: {  	_ =	shalt  }
0x70: {  	_ =	shalt  }
0x71: {  	_ =	shalt  }
0x72: {  	_ =	shalt  }
0x73: {  	_ =	shalt  }
0x74: {  	_ =	shalt  }
0x75: {  	_ =	shalt  }
0x76: {  	_ =	shalt  }
0x77: {  	_ =	shalt  }
0x78: {  	_ =	shalt  }
0x79: {  	_ =	shalt  }
0x7a: {  	_ =	shalt  }
0x7b: {  	_ =	shalt  }
0x7c: {  	_ =	shalt  }
0x7d: {  	_ =	shalt  }
0x7e: {  	_ =	shalt  }
0x7f: {  	_ =	shalt  }
0x80: {  	_ =	shalt  }
0x81: {  	_ =	shalt  }
0x82: {  	_ =	shalt  }
0x83: {  	_ =	shalt  }
0x84: {  	_ =	shalt  }
0x85: {  	_ =	shalt  }
0x86: {  	_ =	shalt  }
0x87: {  	_ =	shalt  }
.Lfunc_end0:
.L_simem_size_0:
called_computation.1_lowered:
.L_overlay_start_0:
0x88: {  	s2 =	sld [smem:$0x3FD9]  }
0x89: {  	s3 =	sld [smem:$0x3FFE];
	_ =	sdelay $0x1  }
0x8a: {  	s1 =	srdreg.scid  }
0x8b: {  	s0 =	sand.u32 $0x1, s1  }
0x8c: {  	s16 =	sshll.u32 s0, $0xA;
	s2 =	sadd.s32 s3, s2  }
0x8d: {  	s2 =	sadd.s32 s2, s16  }
0x8e: {  	[smem:$0x3FB5] =	sst s2  }
0x8f: {  	_ = 	snop  }
0x90: {  	(tm) =	ssettm $0x1  }
0x91: {  	s17 =	sld [smem:$0x3FFB];
	_ =	sdelay $0x3  }
0x92: {  	_ =	strace s17  }
0x93: {  	s2 =	sld [smem:$0x3FFC];
	_ =	sdelay $0x3  }
0x94: {  	_ =	strace s2  }
0x95: {  	s2 =	sld [smem:$0x3FFD];
	_ =	sdelay $0x3  }
0x96: {  	_ =	strace s2  }
0x97: {  	_ =	strace $0x8FFFFFFF  }
0x98: {  	s18 =	sld [smem:$0x3FDB];
	_ =	sdelay $0x1  }
0x99: {  	s19 =	simm.s32 $_scs_section_size  }
0x9a: {  	s4 =	simm.s32 $_size__tile_overlayer_lowered;
	s5 =	simm.s32 $_tile_overlayer_lowered  }
0x9b: {  	s22 =	simm.s32 $0x1BFF;
	s21 =	sshll.u32 s5, $0x1;
	s2 =	sadd.s32 s19, s18  }
0x9c: {  	s6 =	simm.s32 $0x0;
	s20 =	sshll.u32 s4, $0x1;
	s4 =	sadd.s32 s21, s2  }
0x9d: {  	[timem:s6], [sflag:s22] =	dma.local [hbm:s4], s20  }
0x9e: {  	_ =	swait.ge [sflag:s22], s20  }
0x9f: {  	s3 =	ssub.s32 $0x0, s20;
	[sflag:s22] =	ssyncset.done $0x0  }
0xa0: {  	[sflag:s22] =	ssyncadd.s32 s3;
	_ =	sdelay $0x1  }
0xa1: {  	s23 =	simm.s32 $0x1B8B  }
0xa2: {  	_ =	swait.ge [sflag:s23], $0x1  }
0xa3: {  	[sflag:s23] =	ssyncset.done $0x0  }
0xa4: {  	s25 =	simm.s32 $0x1B8E;
	s24 =	sld [smem:$0x3FFE];
	[sflag:s23] =	ssyncadd.s32 $0xFFFFFFFF  }
0xa5: {  	s26 =	simm.s32 $execute0_lowered;
	[smem:$0x3FD2] =	sst s25  }
0xa6: {  	s4 =	sshll.u32 s26, $0x1;
	_ =	strace $0x80000049;
	[dreg:$0x1] =	wrdreg $0xFFFFFFFF  }
0xa7: {  	s28 =	simm.s32 $_size_execute0_lowered;
	s2 =	sadd.s32 s2, s4;
	[dreg:$0x0] =	wrdreg $0x0  }
0xa8: {  	s4 =	sshll.u32 s28, $0x1;
	[dreg:$0x2] =	wrdreg s2  }
0xa9: {  	[dreg:$0x3] =	wrdreg s4  }
0xaa: {  	[dreg:$0x4] =	wrdreg $0xC0  }
0xab: {  	_ =	task [dreg:s6], $0x5FFFF  }
0xac: {  	[dreg:$0x1] =	wrdreg $0xFFFFFFFF  }
0xad: {  	[dreg:$0x0] =	wrdreg $0x60  }
0xae: {  	[dreg:$0x2] =	wrdreg s24  }
0xaf: {  	[dreg:$0x3] =	wrdreg $0x90000  }
0xb0: {  	[dreg:$0x4] =	wrdreg $0x9  }
0xb1: {  	_ =	task.clear_ibuf [dreg:s6], $0x5FFFF;
	_ =	strace $0x90000049  }
0xb2: {  	s29 =	simm.s32 $0x9;
	_ =	strace $0x8000004B  }
0xb3: {  	_ =	swait.ge [sflag:s29], $0x1  }
0xb4: {  	[sflag:s29] =	ssyncadd.s32 $0xFFFFFFFF  }
0xb5: {  	_ =	strace $0x9000004B  }
0xb6: {  	_ =	sfence  }
0xb7: {  	s30 =	sld [smem:$0x0];
	_ =	sdelay $0x2  }
0xb8: {  	s31 =	sshll.u32 s1, $0xD;
	s1 =	sshrl.u32 s1, $0x2  }
0xb9: {  	s3 =	sand.u32 $0x4000, s31;
	s1 =	sadd.s32 s1, s30  }
0xba: {  	s0 =	sor.u32 s3, s0;
	s1 =	sshll.u32 s1, $0x11  }
0xbb: {  	s0 =	sor.u32 s1, s0  }
0xbc: {  	s0 =	sadd.s32 $0x8F2B, s0  }
0xbd: {  	[sflag:s0] =	ssyncadd.remote.s32 $0x1  }
0xbe: {  	_ =	sfence.sel $0xFFFF  }
0xbf: {  	[dreg:$0x0] =	wrdreg $0xFFFFFFFF;
	(pc) =	sbr.abs _section_cstart, $3  }
0xc0: {  	[dreg:$0x1] =	wrdreg $0xFFFFFFFF  }
0xc1: {  	_ =	task.clear_ibuf [dreg:s6], $0x2FFFF;
	_ =	strace $0x9FFFFFFF  }
0xc2: {  	(tm) =	ssettm $0x7FFFFFFF  }
0xc3: {  	_ =	shalt  }
tec
execute0_lowered:
.L_overlay_start_1:
0x0: {  	(tag) =	ssettag $0x1  }
0x1: {  	s0 =	srdreg.scid;
	s5 =	rddreg [dreg:$0x0]  }
0x2: {  	s1 =	rddreg [dreg:$0x1];
	s2 =	stileid.u32  }
0x3: {  	s3 =	simm.s32 $0x0;
	s13 =	simm.s32 $0x2;
	s14 =	simm.s32 $0x7D  }
0x4: {  	s15 =	simm.s32 $0x5000;
	s16 =	simm.s32 $0x3;
	s19 =	simm.s32 $0x0  }
0x5: {  	s6 =	sand.u32 $0x1, s0;
	s0 =	rddreg [dreg:$0x2];
	s9 =	smul.u32 $0x13800, s2  }
0x6: {  	[smem:$0x7FF] =	sst s3;
	s10 =	sadd.s32 $0x3E000, s5;
	s12 =	smul.u32 $0x4E000, s2  }
0x7: {  	s30 =	smul.u32 $0x5000, s2;
	s18 =	sadd.s32 $0x138000, s1;
	p0 =	sne.s32 s2, $0x0  }
0x8: {  	s4 =	sshll.u32 s6, $0x4;
	_ =	strace $0x8000004A;
	s8 =	smul.u32 $0x138800, s6  }
0x9: {  	s6 =	ssub.s32 $0x2, s6;
	s18 =	sshrl.u32 @!p0 s18, $0x3;
	s4 =	sor.u32 s2, s4  }
0xa: {  	s26 =	sshrl.u32 s6, $0x1;
	s29 =	sshrl.u32 s12, $0x2;
	s31 =	sshrl.u32 s30, $0x2  }
0xb: {  	s12 =	simm.s32 $0x1;
	s7 =	smul.u32 $0x500, s4;
	s4 =	sadd.s32 $0x16E00, s5  }
0xc: {  	s11 =	ssub.s32 s6, s26;
	s9 =	sadd.s32 s9, s8;
	s8 =	sshrl.u32 s8, $0x3  }
0xd: {  	s17 =	sadd.s32 s29, s1;
	s28 =	sshrl.u32 s9, $0x3;
	s8 =	sadd.s32 s10, s8  }
0xe: {  	s9 =	smax.u32 s11, $0x1;
	s11 =	simm.s32 $0x2800;
	s7 =	sadd.s32 s7, s5  }
0xf: {  	s17 =	sshrl.u32 s17, $0x3;
	s8 =	sadd.s32 $0x27000, s8;
	s5 =	sadd.s32 $0x2E00, s7  }
0x10: {  	v0 =	vimm.f32 $0.0e+00;
	s6 =	sadd.s32 $0xCE00, s7;
	s7 =	sadd.s32 s10, s28;
	s10 =	sadd.s32 s31, s1  }
.LBB2_1:
0x11: {  	[tilespmem:s3], [sflag:$0x1] =	stream.linear.gather [hbm4b:s5+s3], $0x2800, $0x38;
	[tilespmem:$0x1C880] =	vst v63  }
0x12: {  	s20 =	simm.s32 $0x70;
	s21 =	simm.s32 $0x3C0  }
0x13: {  	[tilespmem:s11], [sflag:$0x2] =	stream.linear.gather [hbm4b:s6+s3], $0x2800, $0x38;
	[tilespmem:$0x1C880] =	vst v63  }
.LBB2_2:
0x14: {  	p1 =	sne.s32 s21, $0xF9C0;
	[tilespmem:s20+$0x5000] =	vst v0  }
0x15: {  	[tilespmem:s20+$0x4F90] =	vst v0  }
0x16: {  	[tilespmem:s20+$0x4FA0] =	vst v0  }
.Ltmp0:
0x17: {  	[tilespmem:s20+$0x4FB0] =	vst v0;
	(pc) =	sbr.rel @p1 .LBB2_2-.Ltmp0, $4  }
0x18: {  	[tilespmem:s20+$0x4FC0] =	vst v0  }
0x19: {  	[tilespmem:s20+$0x4FD0] =	vst v0  }
0x1a: {  	[tilespmem:s20+$0x4FE0] =	vst v0  }
0x1b: {  	[tilespmem:s20+$0x4FF0] =	vst v0;
	s20 =	sshra.s32 s21, $0x2;
	s21 =	sadd.s32 $0x200, s21  }
0x1c: {  	[tilespmem:s20+$0x5000] =	vst v0  }
0x1d: {  	[tilespmem:s20+$0x4F90] =	vst v0  }
0x1e: {  	[tilespmem:s20+$0x4FA0] =	vst v0  }
0x1f: {  	[tilespmem:s20+$0x4FB0] =	vst v0  }
0x20: {  	[tilespmem:s20+$0x4FC0] =	vst v0  }
0x21: {  	[tilespmem:s20+$0x4FD0] =	vst v0;
	s21 =	sadd.s32 $0x0, s2  }
0x22: {  	[tilespmem:s20+$0x4FE0] =	vst v0;
	p1 =	sgt.u32 s21, $0xF9  }
0x23: {  	[tilespmem:s20+$0x4FF0] =	vst v0;
	s20 =	simm.s32 @!p1 $0x5000;
	s23 =	simm.s32 @!p1 $0x3  }
0x24: {  	[spmem:s10] =	stream.linear.scatter @!p1 [tilespmem:s20], [sflag:$0x3], $0x1400, $0x38;
	[tilespmem:$0x1C880] =	vst v63  }
0x25: {  	s22 =	simm.s32 $0x20;
	_ =	swait.ge @!p1 [sflag:s23], $0x1400  }
0x26: {  	s21 =	simm.s32 $0x10;
	s20 =	sadd.s32 $0x14000, s10;
	[sflag:s23] =	ssyncset.done @!p1 $0x0  }
.LBB2_4:
0x27: {  	s24 =	sadd.s32 s21, s2;
	s21 =	smov.u32 s22;
	s22 =	sadd.s32 $0x10, s22  }
0x28: {  	[sflag:s23] =	ssyncadd.s32 @!p1 $0xFFFFEC00;
	p2 =	sne.s32 s22, $0x100  }
.Ltmp1:
0x29: {  	p1 =	sgt.u32 s24, $0xF9;
	(pc) =	sbr.rel @p2 .LBB2_4-.Ltmp1, $4  }
0x2a: {  	s24 =	simm.s32 @!p1 $0x5000;
	s23 =	simm.s32 @!p1 $0x3  }
0x2b: {  	[spmem:s20] =	stream.linear.scatter @!p1 [tilespmem:s24], [sflag:$0x3], $0x1400, $0x38;
	[tilespmem:$0x1C880] =	vst v63  }
0x2c: {  	_ =	swait.ge @!p1 [sflag:s23], $0x1400  }
0x2d: {  	s20 =	sadd.s32 $0x14000, s20;
	[sflag:s23] =	ssyncset.done @!p1 $0x0  }
0x2e: {  	s21 =	sadd.s32 s21, s2  }
0x2f: {  	p2 =	sgt.u32 s21, $0xF9  }
0x30: {  	[sflag:s23] =	ssyncadd.s32 @!p1 $0xFFFFEC00;
	s21 =	simm.s32 @!p2 $0x5000;
	s22 =	simm.s32 @!p2 $0x3  }
0x31: {  	[spmem:s20] =	stream.linear.scatter @!p2 [tilespmem:s21], [sflag:$0x3], $0x1400, $0x38;
	[tilespmem:$0x1C880] =	vst v63  }
0x32: {  	_ =	swait.ge @!p2 [sflag:s22], $0x1400  }
0x33: {  	[sflag:s22] =	ssyncset.done @!p2 $0x0  }
0x34: {  	[sflag:s22] =	ssyncadd.s32 @!p2 $0xFFFFEC00  }
0x35: {  	_ =	swait.ge [sflag:s12], $0x2800  }
0x36: {  	[sflag:s12] =	ssyncset.done $0x0  }
0x37: {  	[sflag:s12] =	ssyncadd.s32 $0xFFFFD800  }
0x38: {  	_ =	swait.ge [sflag:s13], $0x2800  }
0x39: {  	[sflag:s13] =	ssyncset.done $0x0  }
0x3a: {  	[sflag:s13] =	ssyncadd.s32 $0xFFFFD800  }
0x3b: {  	s30 =	simm.s32 $0x0;
	[bflag:$0x0] =	sbarrier.arrive $0xFFFF  }
0x3c: {  	[tilespmem:s15], [sflag:$0x1] =	stream.indirect.gather [hbm4b:s4+s14], $0x80, s30, s14, $0xb8;
	[tilespmem:$0x1C880] =	vst v63  }
0x3d: {  	_ =	swait.ge [sflag:s12], $0x3E80  }
0x3e: {  	[sflag:s12] =	ssyncset.done $0x0  }
0x3f: {  	s31 =	simm.s32 $0x2800;
	[sflag:s12] =	ssyncadd.s32 $0xFFFFC180  }
0x40: {  	[spmem:s1] =	stream.indirect.scatter.add.f32 [tilespmem:s15], [sflag:$0x3], $0x80, s31, s14, $0xb8;
	[tilespmem:$0x1C880] =	vst v63  }
0x41: {  	_ =	swait.ge [sflag:s16], $0x3E80  }
0x42: {  	s20 =	simm.s32 $0x200;
	s21 =	simm.s32 $0x400;
	[sflag:s16] =	ssyncset.done $0x0  }
.LBB2_6:
0x43: {  	s22 =	sshra.s32 s20, $0x2  }
0x44: {  	[sflag:s16] =	ssyncadd.s32 $0xFFFFC180;
	s20 =	smov.u32 s21;
	s23 =	sadd.s32 $0x200, s21  }
0x45: {  	[tilespmem:s15], [sflag:$0x1] =	stream.indirect.gather [hbm4b:s4+s14], $0x80, s22, s14, $0xb8;
	[tilespmem:$0x1C880] =	vst v63  }
0x46: {  	p1 =	sne.s32 s21, $0x9E00;
	_ =	swait.ge [sflag:s12], $0x3E80  }
.Ltmp2:
0x47: {  	[sflag:s12] =	ssyncset.done $0x0;
	(pc) =	sbr.rel @p1 .LBB2_6-.Ltmp2, $4  }
0x48: {  	s21 =	sadd.s32 $0x2800, s22;
	[sflag:s12] =	ssyncadd.s32 $0xFFFFC180  }
0x49: {  	[spmem:s1] =	stream.indirect.scatter.add.f32 [tilespmem:s15], [sflag:$0x3], $0x80, s21, s14, $0xb8;
	[tilespmem:$0x1C880] =	vst v63  }
0x4a: {  	_ =	swait.ge [sflag:s16], $0x3E80  }
0x4b: {  	s21 =	smov.u32 s23;
	[sflag:s16] =	ssyncset.done $0x0  }
0x4c: {  	s20 =	sshra.s32 s20, $0x2;
	[sflag:s16] =	ssyncadd.s32 $0xFFFFC180  }
0x4d: {  	[tilespmem:s15], [sflag:$0x1] =	stream.indirect.gather [hbm4b:s4+s14], $0x80, s20, s14, $0xb8;
	[tilespmem:$0x1C880] =	vst v63  }
0x4e: {  	_ =	swait.ge [sflag:s12], $0x3E80  }
0x4f: {  	[sflag:s12] =	ssyncset.done $0x0  }
0x50: {  	s20 =	sadd.s32 $0x2800, s20;
	[sflag:s12] =	ssyncadd.s32 $0xFFFFC180  }
0x51: {  	[spmem:s1] =	stream.indirect.scatter.add.f32 [tilespmem:s15], [sflag:$0x3], $0x80, s20, s14, $0xb8;
	[tilespmem:$0x1C880] =	vst v63  }
0x52: {  	_ =	swait.ge [sflag:s16], $0x3E80  }
0x53: {  	[sflag:s16] =	ssyncset.done $0x0  }
0x54: {  	s31 =	sshll.u32 s2, $0x6;
	[sflag:s16] =	ssyncadd.s32 $0xFFFFC180  }
0x55: {  	s20 =	sor.u32 $0x1C03, s31;
	[bflag:$0x0] =	sbarrier.arrive $0xFFFF  }
0x56: {  	[hbm:s7], [sflag:s20] =	dma.local [spmem:s17], $0x2700  }
0x57: {  	_ =	swait.ge [sflag:s16], $0x2700  }
0x58: {  	s19 =	sadd.s32 $0x1, s19;
	[sflag:s16] =	ssyncset.done $0x0  }
0x59: {  	p1 =	sne.s32 s19, s9;
	[sflag:s16] =	ssyncadd.s32 $0xFFFFD900  }
0x5a: {  	[hbm:s8], [sflag:s20] =	dma.local @!p0 [spmem:s18], $0x100  }
.Ltmp3:
0x5b: {  	_ = 	snop;
	(pc) =	sbr.rel @p1 .LBB2_1-.Ltmp3, $4  }
0x5c: {  	s20 =	simm.s32 @!p0 $0x3  }
0x5d: {  	_ =	swait.ge @!p0 [sflag:s20], $0x100  }
0x5e: {  	[sflag:s20] =	ssyncset.done @!p0 $0x0  }
0x5f: {  	[sflag:s20] =	ssyncadd.s32 @!p0 $0xFFFFFF00  }
0x60: {  	_ =	sfence.sel $0x180000  }
0x61: {  	[bflag:$0x0] =	sbarrier.arrive $0xFFFF  }
0x62: {  	_ =	strace $0x9000004A  }
0x63: {  	s0 =	sadd.s32 @!p0 $0x100000, s0;
	[bflag:$0x2] =	sbarrier.arrive $0xFFFF  }
0x64: {  	[sflag:s0] =	ssyncadd.tile.s32 @!p0 $0x1;
	_ =	shalt  }
.Lfunc_end2:
_tile_overlayer_lowered:
.L_overlay_start_2:
0x65: {  	(tag) =	ssettag $0x2  }
0x66: {  	s0 =	rddreg [dreg:$0x0];
	s2 =	stileid.u32  }
0x67: {  	s1 =	rddreg [dreg:$0x1];
	p0 =	sne.s32 s2, $0x0  }
0x68: {  	s3 =	rddreg [dreg:$0x2];
	[bflag:$0x3] =	sbarrier.arrive $0xFFFF;
	s2 =	simm.s32 @!p0 $0x1C03  }
0x69: {  	[timem:s3], [sflag:s2] =	dma.local @!p0 [hbm:s0], s1  }
0x6a: {  	s0 =	simm.s32 @!p0 $0x3  }
0x6b: {  	_ =	swait.ge @!p0 [sflag:s0], s1  }
0x6c: {  	s1 =	ssub.s32 @!p0 $0x0, s1;
	[sflag:s0] =	ssyncset.done @!p0 $0x0  }
0x6d: {  	[sflag:s0] =	ssyncadd.s32 @!p0 s1  }
0x6e: {  	[bflag:$0x3] =	sbarrier.arrive $0xFFFF  }
0x6f: {  	_ =	shalt  }

</sc_bundles>
